<compile_context>
chip_gen: v7x
topology: tpu7x:2x2x1
jax: 0.10.2.dev20260603
libtpu: 0.0.44.dev20260713+nightly
codegen_flags: <defaults>
</compile_context>

<pallas_src>
import functools

import jax
import jax.numpy as jnp
from jax import lax
from jax.experimental import pallas as pl
from jax.experimental.pallas import tpu as pltpu
from jax.experimental.pallas import tpu_sc as plsc

N = 10000
NP = 10240
E = 320000
D = 128
G = 64

NC = 2
NS = 16
NW = NC * NS
K = 128
S = 16
NSUP = 5
CPT = NSUP * S
EP = NW * CPT * K
HALF_S = S // 2
RPT = NP // NS
DEGW = 8

_mesh = plsc.VectorSubcoreMesh(core_axis_name="c", subcore_axis_name="s")


@functools.partial(
    pl.kernel,
    out_type=jax.ShapeDtypeStruct((NC, NP, DEGW), jnp.float32),
    mesh=_mesh,
    scratch_types=[
        pltpu.VMEM((CPT, K), jnp.int32),
        pltpu.VMEM((K, DEGW), jnp.float32),
        pltpu.VMEM_SHARED((NP, DEGW), jnp.float32),
        pltpu.SemaphoreType.DMA,
    ],
)
def _sc_degree(dst3_hbm, ones_hbm, zeros_hbm, out_hbm,
               didx_all, ones_v, acc_sh, sem):
    c = lax.axis_index("c")
    s = lax.axis_index("s")
    w = s * NC + c
    pltpu.sync_copy(zeros_hbm.at[pl.ds(s * RPT, RPT)],
                    acc_sh.at[pl.ds(s * RPT, RPT)])
    pltpu.sync_copy(dst3_hbm.at[w], didx_all)
    pltpu.sync_copy(ones_hbm, ones_v)
    plsc.subcore_barrier()

    def fire(j, carry):
        pltpu.async_copy(ones_v, acc_sh.at[didx_all.at[j]], sem, add=True)
        return carry

    lax.fori_loop(0, CPT, fire, 0)

    def drain(j, carry):
        pltpu.make_async_copy(ones_v, acc_sh.at[didx_all.at[0]], sem).wait()
        return carry

    lax.fori_loop(0, CPT, drain, 0)
    plsc.subcore_barrier()
    pltpu.sync_copy(acc_sh.at[pl.ds(s * RPT, RPT)],
                    out_hbm.at[c, pl.ds(s * RPT, RPT)])


def _mm_body(x_ref, w_ref, deg_ref, h_ref):
    deg = deg_ref[0, :, 0] + deg_ref[1, :, 0] + 1.0
    dinv = lax.rsqrt(deg)[:, None]
    h_ref[...] = jnp.dot(x_ref[...], w_ref[...],
                         preferred_element_type=jnp.float32) * dinv


def _tc_matmul(x, W, deg2):
    BN = 2048
    return pl.pallas_call(
        _mm_body,
        grid=(NP // BN,),
        in_specs=[
            pl.BlockSpec((BN, D), lambda i: (i, 0)),
            pl.BlockSpec((D, D), lambda i: (0, 0)),
            pl.BlockSpec((NC, BN, DEGW), lambda i: (0, i, 0)),
        ],
        out_specs=pl.BlockSpec((BN, D), lambda i: (i, 0)),
        out_shape=jax.ShapeDtypeStruct((NP, D), jnp.float32),
    )(x, W, deg2)


@functools.partial(
    pl.kernel,
    out_type=jax.ShapeDtypeStruct((NC, NP, D), jnp.float32),
    mesh=_mesh,
    scratch_types=[
        pltpu.VMEM((CPT, K), jnp.int32),
        pltpu.VMEM((CPT, K), jnp.int32),
        pltpu.VMEM((K, D), jnp.float32),
        pltpu.SemaphoreType.DMA,
        pltpu.SemaphoreType.DMA,
        pltpu.VMEM_SHARED((NP, D), jnp.float32),
    ],
)
def _sc_scatter(hp_hbm, src4_hbm, dst4_hbm, zeros_hbm, out_hbm,
                sidx_all, didx_all, rows0,
                gsem0, ssem0, acc_sh):
    c = lax.axis_index("c")
    s = lax.axis_index("s")
    w = s * NC + c

    @pl.when(c == 0)
    def _():
        pltpu.sync_copy(hp_hbm.at[pl.ds(s * RPT, RPT)],
                        acc_sh.at[pl.ds(s * RPT, RPT)])

    @pl.when(c == 1)
    def _():
        pltpu.sync_copy(zeros_hbm.at[pl.ds(s * RPT, RPT)],
                        acc_sh.at[pl.ds(s * RPT, RPT)])

    pltpu.sync_copy(src4_hbm.at[w], sidx_all)
    pltpu.sync_copy(dst4_hbm.at[w], didx_all)
    plsc.subcore_barrier()

    def chunk(j, carry):
        pltpu.async_copy(hp_hbm.at[sidx_all.at[j]], rows0, gsem0)
        pltpu.make_async_copy(hp_hbm.at[sidx_all.at[j]], rows0, gsem0).wait()
        pltpu.async_copy(rows0, acc_sh.at[didx_all.at[j]], ssem0, add=True)
        pltpu.make_async_copy(rows0, acc_sh.at[didx_all.at[j]], ssem0).wait()
        return carry

    lax.fori_loop(0, CPT, chunk, 0)

    plsc.subcore_barrier()
    pltpu.sync_copy(acc_sh.at[pl.ds(s * RPT, RPT)],
                    out_hbm.at[c, pl.ds(s * RPT, RPT)])


def _norm_body(acc_ref, deg_ref, b_ref, batch_ref, gw_ref, gb_ref, gs_ref,
               y_ref):
    deg = deg_ref[0, :, 0] + deg_ref[1, :, 0] + 1.0
    dinv = lax.rsqrt(deg)[:, None]
    out = (acc_ref[0] + acc_ref[1]) * dinv + b_ref[...]
    oh = (batch_ref[...] == lax.broadcasted_iota(jnp.int32, (1, G), 1)
          ).astype(jnp.float32)
    segs = jnp.dot(oh.T, out, preferred_element_type=jnp.float32)
    segq = jnp.dot(oh.T, out * out, preferred_element_type=jnp.float32)
    cnt = jnp.maximum(jnp.sum(oh, axis=0)[:, None], 1.0)
    mean = segs / cnt
    scale = gs_ref[...]
    var = segq / cnt - mean * mean * scale * (2.0 - scale)
    rstd = lax.rsqrt(var + 1e-5)
    ms = mean * scale
    centered = out - jnp.dot(oh, ms, preferred_element_type=jnp.float32)
    y = gw_ref[...] * centered * jnp.dot(oh, rstd,
                                         preferred_element_type=jnp.float32)
    y_ref[...] = jnp.maximum(y + gb_ref[...], 0.0)


def _tc_norm(acc, deg2, b2, batch2, gw2, gb2, gs2):
    return pl.pallas_call(
        _norm_body,
        out_shape=jax.ShapeDtypeStruct((NP, D), jnp.float32),
    )(acc, deg2, b2, batch2, gw2, gb2, gs2)


def kernel(x, W, b, gn_weight, gn_bias, gn_mean_scale, edge_index, batch):
    src = edge_index[0]
    dst = edge_index[1]
    pad = EP - E
    fill = jnp.arange(pad, dtype=jnp.int32)
    srcp = jnp.concatenate([src, fill % NP])
    dstp = jnp.concatenate([dst, N + fill % (NP - N)])
    src4 = srcp.reshape(NW, CPT, K)
    dst4 = dstp.reshape(NW, CPT, K)
    dst3 = dst4
    xp = jnp.pad(x, ((0, NP - N), (0, 0)))
    ones_kw = jnp.ones((K, DEGW), jnp.float32)
    zeros_nw = jnp.zeros((NP, DEGW), jnp.float32)
    deg2 = _sc_degree(dst3, ones_kw, zeros_nw)
    hprime = _tc_matmul(xp, W, deg2)
    zeros_nd = jnp.zeros((NP, D), jnp.float32)
    acc = _sc_scatter(hprime, src4, dst4, zeros_nd)
    batch2 = jnp.pad(batch, (0, NP - N), constant_values=G)[:, None]
    y = _tc_norm(acc, deg2, b[None, :], batch2, gn_weight[None, :],
                 gn_bias[None, :], gn_mean_scale[None, :])
    return y[:N]

# --- scband reference (transcript-rebuilt; emitter-appended) ---
"""Pipeline reference for scband-graph-conv-bn-44633300140134 (READ-ONLY COPY).

The authoritative reference and input builder live on the scoring server;
editing this copy changes nothing except your own understanding.
"""

import jax, jax.numpy as jnp
import numpy as np

N = 10000
E = 320000
D = 128
G = 64


def setup_inputs(seed: int = 0) -> dict:
    key = jax.random.key(seed)
    ks = jax.random.split(key, 8)
    x = jax.random.normal(ks[0], (N, D), dtype=jnp.float32)
    edge_index = jax.random.randint(ks[1], (2, E), 0, N, dtype=jnp.int32)
    batch = jnp.sort(jax.random.randint(ks[2], (N,), 0, G, dtype=jnp.int32))
    W = jax.random.normal(ks[3], (D, D), dtype=jnp.float32) * (1.0 / np.sqrt(D))
    b = jnp.zeros((D,), dtype=jnp.float32)
    gn_weight = jnp.ones((D,), dtype=jnp.float32)
    gn_bias = jnp.zeros((D,), dtype=jnp.float32)
    gn_mean_scale = jnp.ones((D,), dtype=jnp.float32)
    return {"x": x, "W": W, "b": b, "gn_weight": gn_weight, "gn_bias": gn_bias,
            "gn_mean_scale": gn_mean_scale, "edge_index": edge_index, "batch": batch}


def reference(x, W, b, gn_weight, gn_bias, gn_mean_scale, edge_index, batch):
    n = x.shape[0]
    # ---- GCNConv (normalize=True, add_self_loops=True) ----
    loop = jnp.arange(n, dtype=edge_index.dtype)
    src = jnp.concatenate([edge_index[0], loop])
    dst = jnp.concatenate([edge_index[1], loop])
    deg = jnp.zeros((n,), dtype=jnp.float32).at[dst].add(1.0)
    deg_inv_sqrt = jnp.where(deg > 0, deg ** -0.5, 0.0)
    norm = deg_inv_sqrt[src] * deg_inv_sqrt[dst]
    h = x @ W
    msg = h[src] * norm[:, None]
    out = jnp.zeros_like(h).at[dst].add(msg) + b
    # ---- GraphNorm ----
    cnt = jax.ops.segment_sum(jnp.ones((n,), dtype=jnp.float32), batch, num_segments=G)
    cnt = jnp.maximum(cnt, 1.0)
    mean = jax.ops.segment_sum(out, batch, num_segments=G) / cnt[:, None]
    centered = out - mean[batch] * gn_mean_scale
    var = jax.ops.segment_sum(centered * centered, batch, num_segments=G) / cnt[:, None]
    std = jnp.sqrt(var + 1e-5)
    y = gn_weight * centered / std[batch] + gn_bias
    # ---- ReLU ----
    return jax.nn.relu(y)

if __name__ == "__main__":
    import jax
    _d = setup_inputs()
    print(jax.jit(kernel)(*tuple(_d.values())))

</pallas_src>

<mosaic_0001>
#map = affine_map<(d0, d1) -> (0, 0)>
#map1 = affine_map<(d0, d1) -> (0, 0, 0)>
module attributes {stable_mosaic.version = 14 : i64} {
  func.func @_sc_scatter(%arg0: i32, %arg1: i32, %arg2: memref<10240x128xf32, #tpu.memory_space<hbm>>, %arg3: memref<32x80x128xi32, #tpu.memory_space<hbm>>, %arg4: memref<32x80x128xi32, #tpu.memory_space<hbm>>, %arg5: memref<10240x128xf32, #tpu.memory_space<hbm>>, %arg6: memref<2x10240x128xf32, #tpu.memory_space<hbm>>, %arg7: memref<80x128xi32, #tpu.memory_space<vmem>>, %arg8: memref<80x128xi32, #tpu.memory_space<vmem>>, %arg9: memref<128x128xf32, #tpu.memory_space<vmem>>, %arg10: memref<!tpu.dma_semaphore, #tpu.memory_space<semaphore_mem>>, %arg11: memref<!tpu.dma_semaphore, #tpu.memory_space<semaphore_mem>>, %arg12: memref<10240x128xf32, #tpu.memory_space<vmem_shared>>) attributes {dimension_semantics = [#tpu.dimension_semantics<core_parallel>, #tpu.dimension_semantics<subcore_parallel>], iteration_bounds = array<i64: 2, 16>, scalar_prefetch = 0 : i64, scratch_operands = 6 : i64, tpu.core_type = #tpu.core_type<sc_vector_subcore>, window_params = [{transform_indices = #map}, {transform_indices = #map1}, {transform_indices = #map1}, {transform_indices = #map}, {transform_indices = #map1}]} {
    %mul3A = arith.constant 2 : i32
    %mul3A_0 = arith.muli %arg1, %mul3A : i32
    %add3A = arith.addi %mul3A_0, %arg0 : i32
    %eq3A = arith.constant 0 : i32
    %eq3A_1 = arith.cmpi eq, %arg0, %eq3A : i32
    %convert_element_type3A = arith.extui %eq3A_1 : i1 to i32
    %cond3A = arith.constant 0 : i32
    %cond3A_2 = arith.cmpi ne, %convert_element_type3A, %cond3A : i32
    scf.if %cond3A_2 {
      %mul3A_18 = arith.constant 640 : i32
      %mul3A_19 = arith.muli %arg1, %mul3A_18 : i32
      %mul3A_20 = arith.constant 640 : i32
      %mul3A_21 = arith.muli %arg1, %mul3A_20 : i32
      "tpu.region"() ({
        %run_scoped3A = tpu.sem_alloc : memref<!tpu.dma_semaphore, #tpu.memory_space<semaphore_mem>>
        %dma_start3A = arith.constant 0 : i32
        %dma_start3A_22 = tpu.memref_slice %arg12[%mul3A_21, %dma_start3A] : memref<10240x128xf32, #tpu.memory_space<vmem_shared>> -> memref<640x128xf32, #tpu.memory_space<vmem_shared>>
        %dma_start3A_23 = arith.constant 0 : i32
        %dma_start3A_24 = tpu.memref_slice %arg2[%mul3A_19, %dma_start3A_23] : memref<10240x128xf32, #tpu.memory_space<hbm>> -> memref<640x128xf32, #tpu.memory_space<hbm>>
        tpu.enqueue_dma source(%dma_start3A_24 : memref<640x128xf32, #tpu.memory_space<hbm>>) target(%dma_start3A_22 : memref<640x128xf32, #tpu.memory_space<vmem_shared>>) target_semaphore(%run_scoped3A : memref<!tpu.dma_semaphore, #tpu.memory_space<semaphore_mem>>)
        %dma_wait3A = arith.constant 0 : i32
        %dma_wait3A_25 = tpu.memref_slice %arg12[%mul3A_21, %dma_wait3A] : memref<10240x128xf32, #tpu.memory_space<vmem_shared>> -> memref<640x128xf32, #tpu.memory_space<vmem_shared>>
        %dma_wait3A_26 = arith.constant 0 : i32
        %dma_wait3A_27 = tpu.memref_slice %arg2[%mul3A_19, %dma_wait3A_26] : memref<10240x128xf32, #tpu.memory_space<hbm>> -> memref<640x128xf32, #tpu.memory_space<hbm>>
        tpu.wait_dma2 semaphore(%run_scoped3A : memref<!tpu.dma_semaphore, #tpu.memory_space<semaphore_mem>>) src(%dma_wait3A_27 : memref<640x128xf32, #tpu.memory_space<hbm>>) dst(%dma_wait3A_25 : memref<640x128xf32, #tpu.memory_space<vmem_shared>>)
        tpu.yield
      }) : () -> ()
    } else {
    }
    %eq3A_3 = arith.constant 1 : i32
    %eq3A_4 = arith.cmpi eq, %arg0, %eq3A_3 : i32
    %convert_element_type3A_5 = arith.extui %eq3A_4 : i1 to i32
    %cond3A_6 = arith.constant 0 : i32
    %cond3A_7 = arith.cmpi ne, %convert_element_type3A_5, %cond3A_6 : i32
    scf.if %cond3A_7 {
      %mul3A_18 = arith.constant 640 : i32
      %mul3A_19 = arith.muli %arg1, %mul3A_18 : i32
      %mul3A_20 = arith.constant 640 : i32
      %mul3A_21 = arith.muli %arg1, %mul3A_20 : i32
      "tpu.region"() ({
        %run_scoped3A = tpu.sem_alloc : memref<!tpu.dma_semaphore, #tpu.memory_space<semaphore_mem>>
        %dma_start3A = arith.constant 0 : i32
        %dma_start3A_22 = tpu.memref_slice %arg12[%mul3A_21, %dma_start3A] : memref<10240x128xf32, #tpu.memory_space<vmem_shared>> -> memref<640x128xf32, #tpu.memory_space<vmem_shared>>
        %dma_start3A_23 = arith.constant 0 : i32
        %dma_start3A_24 = tpu.memref_slice %arg5[%mul3A_19, %dma_start3A_23] : memref<10240x128xf32, #tpu.memory_space<hbm>> -> memref<640x128xf32, #tpu.memory_space<hbm>>
        tpu.enqueue_dma source(%dma_start3A_24 : memref<640x128xf32, #tpu.memory_space<hbm>>) target(%dma_start3A_22 : memref<640x128xf32, #tpu.memory_space<vmem_shared>>) target_semaphore(%run_scoped3A : memref<!tpu.dma_semaphore, #tpu.memory_space<semaphore_mem>>)
        %dma_wait3A = arith.constant 0 : i32
        %dma_wait3A_25 = tpu.memref_slice %arg12[%mul3A_21, %dma_wait3A] : memref<10240x128xf32, #tpu.memory_space<vmem_shared>> -> memref<640x128xf32, #tpu.memory_space<vmem_shared>>
        %dma_wait3A_26 = arith.constant 0 : i32
        %dma_wait3A_27 = tpu.memref_slice %arg5[%mul3A_19, %dma_wait3A_26] : memref<10240x128xf32, #tpu.memory_space<hbm>> -> memref<640x128xf32, #tpu.memory_space<hbm>>
        tpu.wait_dma2 semaphore(%run_scoped3A : memref<!tpu.dma_semaphore, #tpu.memory_space<semaphore_mem>>) src(%dma_wait3A_27 : memref<640x128xf32, #tpu.memory_space<hbm>>) dst(%dma_wait3A_25 : memref<640x128xf32, #tpu.memory_space<vmem_shared>>)
        tpu.yield
      }) : () -> ()
    } else {
    }
    "tpu.region"() ({
      %run_scoped3A = tpu.sem_alloc : memref<!tpu.dma_semaphore, #tpu.memory_space<semaphore_mem>>
      %dma_start3A = arith.constant 0 : i32
      %dma_start3A_18 = arith.constant 0 : i32
      %dma_start3A_19 = tpu.memref_slice %arg3[%add3A, %dma_start3A, %dma_start3A_18] : memref<32x80x128xi32, #tpu.memory_space<hbm>> -> memref<1x80x128xi32, #tpu.memory_space<hbm>>
      %dma_start3A_20 = tpu.memref_squeeze %dma_start3A_19 : memref<1x80x128xi32, #tpu.memory_space<hbm>> -> memref<80x128xi32, #tpu.memory_space<hbm>>
      %dma_start3A_21 = arith.constant 0 : i32
      %dma_start3A_22 = arith.constant 0 : i32
      %dma_start3A_23 = tpu.memref_slice %arg3[%add3A, %dma_start3A_21, %dma_start3A_22] : memref<32x80x128xi32, #tpu.memory_space<hbm>> -> memref<1x80x128xi32, #tpu.memory_space<hbm>>
      %dma_start3A_24 = tpu.memref_squeeze %dma_start3A_23 : memref<1x80x128xi32, #tpu.memory_space<hbm>> -> memref<80x128xi32, #tpu.memory_space<hbm>>
      tpu.enqueue_dma source(%dma_start3A_24 : memref<80x128xi32, #tpu.memory_space<hbm>>) target(%arg7 : memref<80x128xi32, #tpu.memory_space<vmem>>) target_semaphore(%run_scoped3A : memref<!tpu.dma_semaphore, #tpu.memory_space<semaphore_mem>>)
      %dma_wait3A = arith.constant 0 : i32
      %dma_wait3A_25 = arith.constant 0 : i32
      %dma_wait3A_26 = tpu.memref_slice %arg3[%add3A, %dma_wait3A, %dma_wait3A_25] : memref<32x80x128xi32, #tpu.memory_space<hbm>> -> memref<1x80x128xi32, #tpu.memory_space<hbm>>
      %dma_wait3A_27 = tpu.memref_squeeze %dma_wait3A_26 : memref<1x80x128xi32, #tpu.memory_space<hbm>> -> memref<80x128xi32, #tpu.memory_space<hbm>>
      %dma_wait3A_28 = arith.constant 0 : i32
      %dma_wait3A_29 = arith.constant 0 : i32
      %dma_wait3A_30 = tpu.memref_slice %arg3[%add3A, %dma_wait3A_28, %dma_wait3A_29] : memref<32x80x128xi32, #tpu.memory_space<hbm>> -> memref<1x80x128xi32, #tpu.memory_space<hbm>>
      %dma_wait3A_31 = tpu.memref_squeeze %dma_wait3A_30 : memref<1x80x128xi32, #tpu.memory_space<hbm>> -> memref<80x128xi32, #tpu.memory_space<hbm>>
      tpu.wait_dma2 semaphore(%run_scoped3A : memref<!tpu.dma_semaphore, #tpu.memory_space<semaphore_mem>>) src(%dma_wait3A_31 : memref<80x128xi32, #tpu.memory_space<hbm>>) dst(%arg7 : memref<80x128xi32, #tpu.memory_space<vmem>>)
      tpu.yield
    }) : () -> ()
    "tpu.region"() ({
      %run_scoped3A = tpu.sem_alloc : memref<!tpu.dma_semaphore, #tpu.memory_space<semaphore_mem>>
      %dma_start3A = arith.constant 0 : i32
      %dma_start3A_18 = arith.constant 0 : i32
      %dma_start3A_19 = tpu.memref_slice %arg4[%add3A, %dma_start3A, %dma_start3A_18] : memref<32x80x128xi32, #tpu.memory_space<hbm>> -> memref<1x80x128xi32, #tpu.memory_space<hbm>>
      %dma_start3A_20 = tpu.memref_squeeze %dma_start3A_19 : memref<1x80x128xi32, #tpu.memory_space<hbm>> -> memref<80x128xi32, #tpu.memory_space<hbm>>
      %dma_start3A_21 = arith.constant 0 : i32
      %dma_start3A_22 = arith.constant 0 : i32
      %dma_start3A_23 = tpu.memref_slice %arg4[%add3A, %dma_start3A_21, %dma_start3A_22] : memref<32x80x128xi32, #tpu.memory_space<hbm>> -> memref<1x80x128xi32, #tpu.memory_space<hbm>>
      %dma_start3A_24 = tpu.memref_squeeze %dma_start3A_23 : memref<1x80x128xi32, #tpu.memory_space<hbm>> -> memref<80x128xi32, #tpu.memory_space<hbm>>
      tpu.enqueue_dma source(%dma_start3A_24 : memref<80x128xi32, #tpu.memory_space<hbm>>) target(%arg8 : memref<80x128xi32, #tpu.memory_space<vmem>>) target_semaphore(%run_scoped3A : memref<!tpu.dma_semaphore, #tpu.memory_space<semaphore_mem>>)
      %dma_wait3A = arith.constant 0 : i32
      %dma_wait3A_25 = arith.constant 0 : i32
      %dma_wait3A_26 = tpu.memref_slice %arg4[%add3A, %dma_wait3A, %dma_wait3A_25] : memref<32x80x128xi32, #tpu.memory_space<hbm>> -> memref<1x80x128xi32, #tpu.memory_space<hbm>>
      %dma_wait3A_27 = tpu.memref_squeeze %dma_wait3A_26 : memref<1x80x128xi32, #tpu.memory_space<hbm>> -> memref<80x128xi32, #tpu.memory_space<hbm>>
      %dma_wait3A_28 = arith.constant 0 : i32
      %dma_wait3A_29 = arith.constant 0 : i32
      %dma_wait3A_30 = tpu.memref_slice %arg4[%add3A, %dma_wait3A_28, %dma_wait3A_29] : memref<32x80x128xi32, #tpu.memory_space<hbm>> -> memref<1x80x128xi32, #tpu.memory_space<hbm>>
      %dma_wait3A_31 = tpu.memref_squeeze %dma_wait3A_30 : memref<1x80x128xi32, #tpu.memory_space<hbm>> -> memref<80x128xi32, #tpu.memory_space<hbm>>
      tpu.wait_dma2 semaphore(%run_scoped3A : memref<!tpu.dma_semaphore, #tpu.memory_space<semaphore_mem>>) src(%dma_wait3A_31 : memref<80x128xi32, #tpu.memory_space<hbm>>) dst(%arg8 : memref<80x128xi32, #tpu.memory_space<vmem>>)
      tpu.yield
    }) : () -> ()
    %barrier3A = arith.constant 0 : index
    tpu.barrier barrier_id(%barrier3A)
    %scan3A = arith.constant 0 : i32
    %scan3A_8 = arith.constant 0 : i32
    %scan3A_9 = arith.constant 80 : i32
    %scan3A_10 = arith.addi %scan3A_8, %scan3A_9 : i32
    %scan3A_11 = arith.constant 1 : i32
    scf.for %scan3A_18 = %scan3A_8 to %scan3A_10 step %scan3A_11  : i32 {
      %dma_start3A = arith.constant 0 : i32
      %dma_start3A_19 = tpu.memref_slice %arg7[%scan3A_18, %dma_start3A] : memref<80x128xi32, #tpu.memory_space<vmem>> -> memref<1x128xi32, #tpu.memory_space<vmem>>
      %dma_start3A_20 = tpu.memref_squeeze %dma_start3A_19 : memref<1x128xi32, #tpu.memory_space<vmem>> -> memref<128xi32, #tpu.memory_space<vmem>>
      %dma_start3A_21 = arith.constant 0 : i32
      %dma_start3A_22 = arith.constant 0 : i32
      %dma_start3A_23 = tpu.memref_slice %arg2[%dma_start3A_21, %dma_start3A_22] : memref<10240x128xf32, #tpu.memory_space<hbm>> -> memref<10240x128xf32, #tpu.memory_space<hbm>>
      tpu.enqueue_indirect_dma source(%dma_start3A_23 : memref<10240x128xf32, #tpu.memory_space<hbm>>) target(%arg9 : memref<128x128xf32, #tpu.memory_space<vmem>>) offsets(%dma_start3A_20 : memref<128xi32, #tpu.memory_space<vmem>>) semaphore(%arg10 : memref<!tpu.dma_semaphore, #tpu.memory_space<semaphore_mem>>)
      %dma_wait3A = arith.constant 0 : i32
      %dma_wait3A_24 = tpu.memref_slice %arg7[%scan3A_18, %dma_wait3A] : memref<80x128xi32, #tpu.memory_space<vmem>> -> memref<1x128xi32, #tpu.memory_space<vmem>>
      %dma_wait3A_25 = tpu.memref_squeeze %dma_wait3A_24 : memref<1x128xi32, #tpu.memory_space<vmem>> -> memref<128xi32, #tpu.memory_space<vmem>>
      %dma_wait3A_26 = arith.constant 0 : i32
      %dma_wait3A_27 = arith.constant 0 : i32
      %dma_wait3A_28 = tpu.memref_slice %arg2[%dma_wait3A_26, %dma_wait3A_27] : memref<10240x128xf32, #tpu.memory_space<hbm>> -> memref<10240x128xf32, #tpu.memory_space<hbm>>
      tpu.wait_indirect_dma semaphore(%arg10 : memref<!tpu.dma_semaphore, #tpu.memory_space<semaphore_mem>>) src(%dma_wait3A_28 : memref<10240x128xf32, #tpu.memory_space<hbm>>) dst(%arg9 : memref<128x128xf32, #tpu.memory_space<vmem>>)
      %dma_start3A_29 = arith.constant 0 : i32
      %dma_start3A_30 = tpu.memref_slice %arg8[%scan3A_18, %dma_start3A_29] : memref<80x128xi32, #tpu.memory_space<vmem>> -> memref<1x128xi32, #tpu.memory_space<vmem>>
      %dma_start3A_31 = tpu.memref_squeeze %dma_start3A_30 : memref<1x128xi32, #tpu.memory_space<vmem>> -> memref<128xi32, #tpu.memory_space<vmem>>
      %dma_start3A_32 = arith.constant 0 : i32
      %dma_start3A_33 = arith.constant 0 : i32
      %dma_start3A_34 = tpu.memref_slice %arg12[%dma_start3A_32, %dma_start3A_33] : memref<10240x128xf32, #tpu.memory_space<vmem_shared>> -> memref<10240x128xf32, #tpu.memory_space<vmem_shared>>
      tpu.enqueue_indirect_dma source(%arg9 : memref<128x128xf32, #tpu.memory_space<vmem>>) target(%dma_start3A_34 : memref<10240x128xf32, #tpu.memory_space<vmem_shared>>) offsets(%dma_start3A_31 : memref<128xi32, #tpu.memory_space<vmem>>) semaphore(%arg11 : memref<!tpu.dma_semaphore, #tpu.memory_space<semaphore_mem>>) {add = true}
      %dma_wait3A_35 = arith.constant 0 : i32
      %dma_wait3A_36 = tpu.memref_slice %arg8[%scan3A_18, %dma_wait3A_35] : memref<80x128xi32, #tpu.memory_space<vmem>> -> memref<1x128xi32, #tpu.memory_space<vmem>>
      %dma_wait3A_37 = tpu.memref_squeeze %dma_wait3A_36 : memref<1x128xi32, #tpu.memory_space<vmem>> -> memref<128xi32, #tpu.memory_space<vmem>>
      %dma_wait3A_38 = arith.constant 0 : i32
      %dma_wait3A_39 = arith.constant 0 : i32
      %dma_wait3A_40 = tpu.memref_slice %arg12[%dma_wait3A_38, %dma_wait3A_39] : memref<10240x128xf32, #tpu.memory_space<vmem_shared>> -> memref<10240x128xf32, #tpu.memory_space<vmem_shared>>
      tpu.wait_indirect_dma semaphore(%arg11 : memref<!tpu.dma_semaphore, #tpu.memory_space<semaphore_mem>>) src(%arg9 : memref<128x128xf32, #tpu.memory_space<vmem>>) dst(%dma_wait3A_40 : memref<10240x128xf32, #tpu.memory_space<vmem_shared>>)
    }
    %scan3A_12 = arith.constant 80 : i32
    %barrier3A_13 = arith.constant 0 : index
    tpu.barrier barrier_id(%barrier3A_13)
    %mul3A_14 = arith.constant 640 : i32
    %mul3A_15 = arith.muli %arg1, %mul3A_14 : i32
    %mul3A_16 = arith.constant 640 : i32
    %mul3A_17 = arith.muli %arg1, %mul3A_16 : i32
    "tpu.region"() ({
      %run_scoped3A = tpu.sem_alloc : memref<!tpu.dma_semaphore, #tpu.memory_space<semaphore_mem>>
      %dma_start3A = arith.constant 0 : i32
      %dma_start3A_18 = tpu.memref_slice %arg6[%arg0, %mul3A_17, %dma_start3A] : memref<2x10240x128xf32, #tpu.memory_space<hbm>> -> memref<1x640x128xf32, #tpu.memory_space<hbm>>
      %dma_start3A_19 = tpu.memref_squeeze %dma_start3A_18 : memref<1x640x128xf32, #tpu.memory_space<hbm>> -> memref<640x128xf32, #tpu.memory_space<hbm>>
      %dma_start3A_20 = arith.constant 0 : i32
      %dma_start3A_21 = tpu.memref_slice %arg12[%mul3A_15, %dma_start3A_20] : memref<10240x128xf32, #tpu.memory_space<vmem_shared>> -> memref<640x128xf32, #tpu.memory_space<vmem_shared>>
      tpu.enqueue_dma source(%dma_start3A_21 : memref<640x128xf32, #tpu.memory_space<vmem_shared>>) target(%dma_start3A_19 : memref<640x128xf32, #tpu.memory_space<hbm>>) target_semaphore(%run_scoped3A : memref<!tpu.dma_semaphore, #tpu.memory_space<semaphore_mem>>)
      %dma_wait3A = arith.constant 0 : i32
      %dma_wait3A_22 = tpu.memref_slice %arg6[%arg0, %mul3A_17, %dma_wait3A] : memref<2x10240x128xf32, #tpu.memory_space<hbm>> -> memref<1x640x128xf32, #tpu.memory_space<hbm>>
      %dma_wait3A_23 = tpu.memref_squeeze %dma_wait3A_22 : memref<1x640x128xf32, #tpu.memory_space<hbm>> -> memref<640x128xf32, #tpu.memory_space<hbm>>
      %dma_wait3A_24 = arith.constant 0 : i32
      %dma_wait3A_25 = tpu.memref_slice %arg12[%mul3A_15, %dma_wait3A_24] : memref<10240x128xf32, #tpu.memory_space<vmem_shared>> -> memref<640x128xf32, #tpu.memory_space<vmem_shared>>
      tpu.wait_dma2 semaphore(%run_scoped3A : memref<!tpu.dma_semaphore, #tpu.memory_space<semaphore_mem>>) src(%dma_wait3A_25 : memref<640x128xf32, #tpu.memory_space<vmem_shared>>) dst(%dma_wait3A_23 : memref<640x128xf32, #tpu.memory_space<hbm>>)
      tpu.yield
    }) : () -> ()
    return
  }
}

#map = affine_map<(d0, d1) -> (0, 0, 0)>
#map1 = affine_map<(d0, d1) -> (0, 0)>
module attributes {stable_mosaic.version = 14 : i64} {
  func.func @_sc_degree(%arg0: i32, %arg1: i32, %arg2: memref<32x80x128xi32, #tpu.memory_space<hbm>>, %arg3: memref<128x8xf32, #tpu.memory_space<hbm>>, %arg4: memref<10240x8xf32, #tpu.memory_space<hbm>>, %arg5: memref<2x10240x8xf32, #tpu.memory_space<hbm>>, %arg6: memref<80x128xi32, #tpu.memory_space<vmem>>, %arg7: memref<128x8xf32, #tpu.memory_space<vmem>>, %arg8: memref<10240x8xf32, #tpu.memory_space<vmem_shared>>, %arg9: memref<!tpu.dma_semaphore, #tpu.memory_space<semaphore_mem>>) attributes {dimension_semantics = [#tpu.dimension_semantics<core_parallel>, #tpu.dimension_semantics<subcore_parallel>], iteration_bounds = array<i64: 2, 16>, scalar_prefetch = 0 : i64, scratch_operands = 4 : i64, tpu.core_type = #tpu.core_type<sc_vector_subcore>, window_params = [{transform_indices = #map}, {transform_indices = #map1}, {transform_indices = #map1}, {transform_indices = #map}]} {
    %mul3A = arith.constant 2 : i32
    %mul3A_0 = arith.muli %arg1, %mul3A : i32
    %add3A = arith.addi %mul3A_0, %arg0 : i32
    %mul3A_1 = arith.constant 640 : i32
    %mul3A_2 = arith.muli %arg1, %mul3A_1 : i32
    %mul3A_3 = arith.constant 640 : i32
    %mul3A_4 = arith.muli %arg1, %mul3A_3 : i32
    "tpu.region"() ({
      %run_scoped3A = tpu.sem_alloc : memref<!tpu.dma_semaphore, #tpu.memory_space<semaphore_mem>>
      %dma_start3A = arith.constant 0 : i32
      %dma_start3A_21 = tpu.memref_slice %arg8[%mul3A_4, %dma_start3A] : memref<10240x8xf32, #tpu.memory_space<vmem_shared>> -> memref<640x8xf32, #tpu.memory_space<vmem_shared>>
      %dma_start3A_22 = arith.constant 0 : i32
      %dma_start3A_23 = tpu.memref_slice %arg4[%mul3A_2, %dma_start3A_22] : memref<10240x8xf32, #tpu.memory_space<hbm>> -> memref<640x8xf32, #tpu.memory_space<hbm>>
      tpu.enqueue_dma source(%dma_start3A_23 : memref<640x8xf32, #tpu.memory_space<hbm>>) target(%dma_start3A_21 : memref<640x8xf32, #tpu.memory_space<vmem_shared>>) target_semaphore(%run_scoped3A : memref<!tpu.dma_semaphore, #tpu.memory_space<semaphore_mem>>)
      %dma_wait3A = arith.constant 0 : i32
      %dma_wait3A_24 = tpu.memref_slice %arg8[%mul3A_4, %dma_wait3A] : memref<10240x8xf32, #tpu.memory_space<vmem_shared>> -> memref<640x8xf32, #tpu.memory_space<vmem_shared>>
      %dma_wait3A_25 = arith.constant 0 : i32
      %dma_wait3A_26 = tpu.memref_slice %arg4[%mul3A_2, %dma_wait3A_25] : memref<10240x8xf32, #tpu.memory_space<hbm>> -> memref<640x8xf32, #tpu.memory_space<hbm>>
      tpu.wait_dma2 semaphore(%run_scoped3A : memref<!tpu.dma_semaphore, #tpu.memory_space<semaphore_mem>>) src(%dma_wait3A_26 : memref<640x8xf32, #tpu.memory_space<hbm>>) dst(%dma_wait3A_24 : memref<640x8xf32, #tpu.memory_space<vmem_shared>>)
      tpu.yield
    }) : () -> ()
    "tpu.region"() ({
      %run_scoped3A = tpu.sem_alloc : memref<!tpu.dma_semaphore, #tpu.memory_space<semaphore_mem>>
      %dma_start3A = arith.constant 0 : i32
      %dma_start3A_21 = arith.constant 0 : i32
      %dma_start3A_22 = tpu.memref_slice %arg2[%add3A, %dma_start3A, %dma_start3A_21] : memref<32x80x128xi32, #tpu.memory_space<hbm>> -> memref<1x80x128xi32, #tpu.memory_space<hbm>>
      %dma_start3A_23 = tpu.memref_squeeze %dma_start3A_22 : memref<1x80x128xi32, #tpu.memory_space<hbm>> -> memref<80x128xi32, #tpu.memory_space<hbm>>
      %dma_start3A_24 = arith.constant 0 : i32
      %dma_start3A_25 = arith.constant 0 : i32
      %dma_start3A_26 = tpu.memref_slice %arg2[%add3A, %dma_start3A_24, %dma_start3A_25] : memref<32x80x128xi32, #tpu.memory_space<hbm>> -> memref<1x80x128xi32, #tpu.memory_space<hbm>>
      %dma_start3A_27 = tpu.memref_squeeze %dma_start3A_26 : memref<1x80x128xi32, #tpu.memory_space<hbm>> -> memref<80x128xi32, #tpu.memory_space<hbm>>
      tpu.enqueue_dma source(%dma_start3A_27 : memref<80x128xi32, #tpu.memory_space<hbm>>) target(%arg6 : memref<80x128xi32, #tpu.memory_space<vmem>>) target_semaphore(%run_scoped3A : memref<!tpu.dma_semaphore, #tpu.memory_space<semaphore_mem>>)
      %dma_wait3A = arith.constant 0 : i32
      %dma_wait3A_28 = arith.constant 0 : i32
      %dma_wait3A_29 = tpu.memref_slice %arg2[%add3A, %dma_wait3A, %dma_wait3A_28] : memref<32x80x128xi32, #tpu.memory_space<hbm>> -> memref<1x80x128xi32, #tpu.memory_space<hbm>>
      %dma_wait3A_30 = tpu.memref_squeeze %dma_wait3A_29 : memref<1x80x128xi32, #tpu.memory_space<hbm>> -> memref<80x128xi32, #tpu.memory_space<hbm>>
      %dma_wait3A_31 = arith.constant 0 : i32
      %dma_wait3A_32 = arith.constant 0 : i32
      %dma_wait3A_33 = tpu.memref_slice %arg2[%add3A, %dma_wait3A_31, %dma_wait3A_32] : memref<32x80x128xi32, #tpu.memory_space<hbm>> -> memref<1x80x128xi32, #tpu.memory_space<hbm>>
      %dma_wait3A_34 = tpu.memref_squeeze %dma_wait3A_33 : memref<1x80x128xi32, #tpu.memory_space<hbm>> -> memref<80x128xi32, #tpu.memory_space<hbm>>
      tpu.wait_dma2 semaphore(%run_scoped3A : memref<!tpu.dma_semaphore, #tpu.memory_space<semaphore_mem>>) src(%dma_wait3A_34 : memref<80x128xi32, #tpu.memory_space<hbm>>) dst(%arg6 : memref<80x128xi32, #tpu.memory_space<vmem>>)
      tpu.yield
    }) : () -> ()
    "tpu.region"() ({
      %run_scoped3A = tpu.sem_alloc : memref<!tpu.dma_semaphore, #tpu.memory_space<semaphore_mem>>
      tpu.enqueue_dma source(%arg3 : memref<128x8xf32, #tpu.memory_space<hbm>>) target(%arg7 : memref<128x8xf32, #tpu.memory_space<vmem>>) target_semaphore(%run_scoped3A : memref<!tpu.dma_semaphore, #tpu.memory_space<semaphore_mem>>)
      tpu.wait_dma2 semaphore(%run_scoped3A : memref<!tpu.dma_semaphore, #tpu.memory_space<semaphore_mem>>) src(%arg3 : memref<128x8xf32, #tpu.memory_space<hbm>>) dst(%arg7 : memref<128x8xf32, #tpu.memory_space<vmem>>)
      tpu.yield
    }) : () -> ()
    %barrier3A = arith.constant 0 : index
    tpu.barrier barrier_id(%barrier3A)
    %scan3A = arith.constant 0 : i32
    %scan3A_5 = arith.constant 0 : i32
    %scan3A_6 = arith.constant 80 : i32
    %scan3A_7 = arith.addi %scan3A_5, %scan3A_6 : i32
    %scan3A_8 = arith.constant 1 : i32
    scf.for %scan3A_21 = %scan3A_5 to %scan3A_7 step %scan3A_8  : i32 {
      %dma_start3A = arith.constant 0 : i32
      %dma_start3A_22 = tpu.memref_slice %arg6[%scan3A_21, %dma_start3A] : memref<80x128xi32, #tpu.memory_space<vmem>> -> memref<1x128xi32, #tpu.memory_space<vmem>>
      %dma_start3A_23 = tpu.memref_squeeze %dma_start3A_22 : memref<1x128xi32, #tpu.memory_space<vmem>> -> memref<128xi32, #tpu.memory_space<vmem>>
      %dma_start3A_24 = arith.constant 0 : i32
      %dma_start3A_25 = arith.constant 0 : i32
      %dma_start3A_26 = tpu.memref_slice %arg8[%dma_start3A_24, %dma_start3A_25] : memref<10240x8xf32, #tpu.memory_space<vmem_shared>> -> memref<10240x8xf32, #tpu.memory_space<vmem_shared>>
      tpu.enqueue_indirect_dma source(%arg7 : memref<128x8xf32, #tpu.memory_space<vmem>>) target(%dma_start3A_26 : memref<10240x8xf32, #tpu.memory_space<vmem_shared>>) offsets(%dma_start3A_23 : memref<128xi32, #tpu.memory_space<vmem>>) semaphore(%arg9 : memref<!tpu.dma_semaphore, #tpu.memory_space<semaphore_mem>>) {add = true}
    }
    %scan3A_9 = arith.constant 80 : i32
    %scan3A_10 = arith.constant 0 : i32
    %scan3A_11 = arith.constant 0 : i32
    %scan3A_12 = arith.constant 80 : i32
    %scan3A_13 = arith.addi %scan3A_11, %scan3A_12 : i32
    %scan3A_14 = arith.constant 1 : i32
    scf.for %scan3A_21 = %scan3A_11 to %scan3A_13 step %scan3A_14  : i32 {
      %dma_wait3A = arith.constant 0 : i32
      %dma_wait3A_22 = arith.constant 0 : i32
      %dma_wait3A_23 = tpu.memref_slice %arg6[%dma_wait3A, %dma_wait3A_22] : memref<80x128xi32, #tpu.memory_space<vmem>> -> memref<1x128xi32, #tpu.memory_space<vmem>>
      %dma_wait3A_24 = tpu.memref_squeeze %dma_wait3A_23 : memref<1x128xi32, #tpu.memory_space<vmem>> -> memref<128xi32, #tpu.memory_space<vmem>>
      %dma_wait3A_25 = arith.constant 0 : i32
      %dma_wait3A_26 = arith.constant 0 : i32
      %dma_wait3A_27 = tpu.memref_slice %arg8[%dma_wait3A_25, %dma_wait3A_26] : memref<10240x8xf32, #tpu.memory_space<vmem_shared>> -> memref<10240x8xf32, #tpu.memory_space<vmem_shared>>
      tpu.wait_indirect_dma semaphore(%arg9 : memref<!tpu.dma_semaphore, #tpu.memory_space<semaphore_mem>>) src(%arg7 : memref<128x8xf32, #tpu.memory_space<vmem>>) dst(%dma_wait3A_27 : memref<10240x8xf32, #tpu.memory_space<vmem_shared>>)
    }
    %scan3A_15 = arith.constant 80 : i32
    %barrier3A_16 = arith.constant 0 : index
    tpu.barrier barrier_id(%barrier3A_16)
    %mul3A_17 = arith.constant 640 : i32
    %mul3A_18 = arith.muli %arg1, %mul3A_17 : i32
    %mul3A_19 = arith.constant 640 : i32
    %mul3A_20 = arith.muli %arg1, %mul3A_19 : i32
    "tpu.region"() ({
      %run_scoped3A = tpu.sem_alloc : memref<!tpu.dma_semaphore, #tpu.memory_space<semaphore_mem>>
      %dma_start3A = arith.constant 0 : i32
      %dma_start3A_21 = tpu.memref_slice %arg5[%arg0, %mul3A_20, %dma_start3A] : memref<2x10240x8xf32, #tpu.memory_space<hbm>> -> memref<1x640x8xf32, #tpu.memory_space<hbm>>
      %dma_start3A_22 = tpu.memref_squeeze %dma_start3A_21 : memref<1x640x8xf32, #tpu.memory_space<hbm>> -> memref<640x8xf32, #tpu.memory_space<hbm>>
      %dma_start3A_23 = arith.constant 0 : i32
      %dma_start3A_24 = tpu.memref_slice %arg8[%mul3A_18, %dma_start3A_23] : memref<10240x8xf32, #tpu.memory_space<vmem_shared>> -> memref<640x8xf32, #tpu.memory_space<vmem_shared>>
      tpu.enqueue_dma source(%dma_start3A_24 : memref<640x8xf32, #tpu.memory_space<vmem_shared>>) target(%dma_start3A_22 : memref<640x8xf32, #tpu.memory_space<hbm>>) target_semaphore(%run_scoped3A : memref<!tpu.dma_semaphore, #tpu.memory_space<semaphore_mem>>)
      %dma_wait3A = arith.constant 0 : i32
      %dma_wait3A_25 = tpu.memref_slice %arg5[%arg0, %mul3A_20, %dma_wait3A] : memref<2x10240x8xf32, #tpu.memory_space<hbm>> -> memref<1x640x8xf32, #tpu.memory_space<hbm>>
      %dma_wait3A_26 = tpu.memref_squeeze %dma_wait3A_25 : memref<1x640x8xf32, #tpu.memory_space<hbm>> -> memref<640x8xf32, #tpu.memory_space<hbm>>
      %dma_wait3A_27 = arith.constant 0 : i32
      %dma_wait3A_28 = tpu.memref_slice %arg8[%mul3A_18, %dma_wait3A_27] : memref<10240x8xf32, #tpu.memory_space<vmem_shared>> -> memref<640x8xf32, #tpu.memory_space<vmem_shared>>
      tpu.wait_dma2 semaphore(%run_scoped3A : memref<!tpu.dma_semaphore, #tpu.memory_space<semaphore_mem>>) src(%dma_wait3A_28 : memref<640x8xf32, #tpu.memory_space<vmem_shared>>) dst(%dma_wait3A_26 : memref<640x8xf32, #tpu.memory_space<hbm>>)
      tpu.yield
    }) : () -> ()
    return
  }
}

module attributes {stable_mosaic.version = 14 : i64} {
  func.func @_mm_body(%arg0: i32, %arg1: memref<2048x128xf32, #tpu.memory_space<vmem>>, %arg2: memref<128x128xf32, #tpu.memory_space<vmem>>, %arg3: memref<2x2048x8xf32, #tpu.memory_space<vmem>>, %arg4: memref<2048x128xf32, #tpu.memory_space<vmem>>) attributes {dimension_semantics = [#tpu.dimension_semantics<arbitrary>], iteration_bounds = array<i64: 5>, scalar_prefetch = 0 : i64, scratch_operands = 0 : i64, tpu.core_type = #tpu.core_type<tc>, window_params = [{transform_indices = @transform_0, window_bounds = array<i64: 2048, 128>}, {pipeline_mode = #tpu.pipeline_mode<synchronous>, transform_indices = @transform_1, window_bounds = array<i64: 128, 128>}, {transform_indices = @transform_2, window_bounds = array<i64: 2, 2048, 8>}, {transform_indices = @transform_3, window_bounds = array<i64: 2048, 128>}]} {
    %get3A = arith.constant 0 : index
    %get3A_0 = arith.constant 0 : index
    %get3A_1 = arith.constant 0 : index
    %get3A_2 = vector.load %arg3[%get3A, %get3A_0, %get3A_1] : memref<2x2048x8xf32, #tpu.memory_space<vmem>>, vector<1x2048x1xf32>
    %get3A_3 = vector.shape_cast %get3A_2 : vector<1x2048x1xf32> to vector<2048xf32>
    %get3A_4 = arith.constant 1 : index
    %get3A_5 = arith.constant 0 : index
    %get3A_6 = arith.constant 0 : index
    %get3A_7 = vector.load %arg3[%get3A_4, %get3A_5, %get3A_6] : memref<2x2048x8xf32, #tpu.memory_space<vmem>>, vector<1x2048x1xf32>
    %get3A_8 = vector.shape_cast %get3A_7 : vector<1x2048x1xf32> to vector<2048xf32>
    %add3A = arith.addf %get3A_3, %get3A_8 : vector<2048xf32>
    %add3A_9 = arith.constant 1.000000e+00 : f32
    %add3A_10 = vector.broadcast %add3A_9 : f32 to vector<2048xf32>
    %add3A_11 = arith.addf %add3A, %add3A_10 : vector<2048xf32>
    %rsqrt3A = math.rsqrt %add3A_11 : vector<2048xf32>
    %broadcast_in_dim3A = vector.shape_cast %rsqrt3A : vector<2048xf32> to vector<2048x1xf32>
    %get3A_12 = arith.constant 0 : index
    %get3A_13 = arith.constant 0 : index
    %get3A_14 = vector.load %arg1[%get3A_12, %get3A_13] : memref<2048x128xf32, #tpu.memory_space<vmem>>, vector<2048x128xf32>
    %get3A_15 = arith.constant 0 : index
    %get3A_16 = arith.constant 0 : index
    %get3A_17 = vector.load %arg2[%get3A_15, %get3A_16] : memref<128x128xf32, #tpu.memory_space<vmem>>, vector<128x128xf32>
    %dot_general3A = arith.constant dense<0.000000e+00> : vector<2048x128xf32>
    %dot_general3A_18 = tpu.matmul %get3A_14, %get3A_17, %dot_general3A {dimension_numbers = #tpu.dot_dimension_numbers<[1], [0], [0], [1], [0, 0, 1, 1], [], []>, transpose_lhs_hint = false} : vector<2048x128xf32>, vector<128x128xf32>, vector<2048x128xf32> -> vector<2048x128xf32>
    %mul3A = vector.broadcast %broadcast_in_dim3A : vector<2048x1xf32> to vector<2048x128xf32>
    %mul3A_19 = arith.mulf %dot_general3A_18, %mul3A : vector<2048x128xf32>
    %swap3A = arith.constant 0 : index
    %swap3A_20 = arith.constant 0 : index
    %swap3A_21 = vector.load %arg4[%swap3A, %swap3A_20] : memref<2048x128xf32, #tpu.memory_space<vmem>>, vector<2048x128xf32>
    tpu.vector_store %arg4[%swap3A, %swap3A_20], %mul3A_19 {strides = array<i32>} : memref<2048x128xf32, #tpu.memory_space<vmem>>, vector<2048x128xf32>,
    return
  }
  func.func @transform_0(%arg0: i32) -> (i32, i32) {
    %c0_i32 = arith.constant 0 : i32
    %c0_i32_0 = arith.constant 0 : i32
    return %arg0, %c0_i32 : i32, i32
  }
  func.func @transform_1(%arg0: i32) -> (i32, i32) {
    %c0_i32 = arith.constant 0 : i32
    %c0_i32_0 = arith.constant 0 : i32
    %c0_i32_1 = arith.constant 0 : i32
    return %c0_i32, %c0_i32_0 : i32, i32
  }
  func.func @transform_2(%arg0: i32) -> (i32, i32, i32) {
    %c0_i32 = arith.constant 0 : i32
    %c0_i32_0 = arith.constant 0 : i32
    %c0_i32_1 = arith.constant 0 : i32
    return %c0_i32, %arg0, %c0_i32_0 : i32, i32, i32
  }
  func.func @transform_3(%arg0: i32) -> (i32, i32) {
    %c0_i32 = arith.constant 0 : i32
    %c0_i32_0 = arith.constant 0 : i32
    return %arg0, %c0_i32 : i32, i32
  }
}

module attributes {stable_mosaic.version = 14 : i64} {
  func.func @_norm_body(%arg0: memref<2x10240x128xf32, #tpu.memory_space<vmem>>, %arg1: memref<2x10240x8xf32, #tpu.memory_space<vmem>>, %arg2: memref<1x128xf32, #tpu.memory_space<vmem>>, %arg3: memref<10240x1xi32, #tpu.memory_space<vmem>>, %arg4: memref<1x128xf32, #tpu.memory_space<vmem>>, %arg5: memref<1x128xf32, #tpu.memory_space<vmem>>, %arg6: memref<1x128xf32, #tpu.memory_space<vmem>>, %arg7: memref<10240x128xf32, #tpu.memory_space<vmem>>) attributes {dimension_semantics = [], scalar_prefetch = 0 : i64, scratch_operands = 0 : i64, tpu.core_type = #tpu.core_type<tc>} {
    %get3A = arith.constant 0 : index
    %get3A_0 = arith.constant 0 : index
    %get3A_1 = arith.constant 0 : index
    %get3A_2 = vector.load %arg1[%get3A, %get3A_0, %get3A_1] : memref<2x10240x8xf32, #tpu.memory_space<vmem>>, vector<1x10240x1xf32>
    %get3A_3 = vector.shape_cast %get3A_2 : vector<1x10240x1xf32> to vector<10240xf32>
    %get3A_4 = arith.constant 1 : index
    %get3A_5 = arith.constant 0 : index
    %get3A_6 = arith.constant 0 : index
    %get3A_7 = vector.load %arg1[%get3A_4, %get3A_5, %get3A_6] : memref<2x10240x8xf32, #tpu.memory_space<vmem>>, vector<1x10240x1xf32>
    %get3A_8 = vector.shape_cast %get3A_7 : vector<1x10240x1xf32> to vector<10240xf32>
    %add3A = arith.addf %get3A_3, %get3A_8 : vector<10240xf32>
    %add3A_9 = arith.constant 1.000000e+00 : f32
    %add3A_10 = vector.broadcast %add3A_9 : f32 to vector<10240xf32>
    %add3A_11 = arith.addf %add3A, %add3A_10 : vector<10240xf32>
    %rsqrt3A = math.rsqrt %add3A_11 : vector<10240xf32>
    %broadcast_in_dim3A = vector.shape_cast %rsqrt3A : vector<10240xf32> to vector<10240x1xf32>
    %get3A_12 = arith.constant 0 : index
    %get3A_13 = arith.constant 0 : index
    %get3A_14 = arith.constant 0 : index
    %get3A_15 = vector.load %arg0[%get3A_12, %get3A_13, %get3A_14] : memref<2x10240x128xf32, #tpu.memory_space<vmem>>, vector<1x10240x128xf32>
    %get3A_16 = vector.shape_cast %get3A_15 : vector<1x10240x128xf32> to vector<10240x128xf32>
    %get3A_17 = arith.constant 1 : index
    %get3A_18 = arith.constant 0 : index
    %get3A_19 = arith.constant 0 : index
    %get3A_20 = vector.load %arg0[%get3A_17, %get3A_18, %get3A_19] : memref<2x10240x128xf32, #tpu.memory_space<vmem>>, vector<1x10240x128xf32>
    %get3A_21 = vector.shape_cast %get3A_20 : vector<1x10240x128xf32> to vector<10240x128xf32>
    %add3A_22 = arith.addf %get3A_16, %get3A_21 : vector<10240x128xf32>
    %mul3A = vector.broadcast %broadcast_in_dim3A : vector<10240x1xf32> to vector<10240x128xf32>
    %mul3A_23 = arith.mulf %add3A_22, %mul3A : vector<10240x128xf32>
    %get3A_24 = arith.constant 0 : index
    %get3A_25 = arith.constant 0 : index
    %get3A_26 = vector.load %arg2[%get3A_24, %get3A_25] : memref<1x128xf32, #tpu.memory_space<vmem>>, vector<1x128xf32>
    %add3A_27 = vector.broadcast %get3A_26 : vector<1x128xf32> to vector<10240x128xf32>
    %add3A_28 = arith.addf %mul3A_23, %add3A_27 : vector<10240x128xf32>
    %get3A_29 = arith.constant 0 : index
    %get3A_30 = arith.constant 0 : index
    %get3A_31 = vector.load %arg3[%get3A_29, %get3A_30] : memref<10240x1xi32, #tpu.memory_space<vmem>>, vector<10240x1xi32>
    %iota3A = tpu.iota {dimensions = array<i32: 1>} : vector<1x64xi32>
    %eq3A = vector.broadcast %get3A_31 : vector<10240x1xi32> to vector<10240x64xi32>
    %eq3A_32 = vector.broadcast %iota3A : vector<1x64xi32> to vector<10240x64xi32>
    %eq3A_33 = arith.cmpi eq, %eq3A, %eq3A_32 : vector<10240x64xi32>
    %convert_element_type3A = arith.extui %eq3A_33 : vector<10240x64xi1> to vector<10240x64xi32>
    %convert_element_type3A_34 = arith.sitofp %convert_element_type3A : vector<10240x64xi32> to vector<10240x64xf32>
    %transpose3A = tpu.transpose %convert_element_type3A_34, [1, 0] : vector<10240x64xf32> -> vector<64x10240xf32>
    %dot_general3A = arith.constant dense<0.000000e+00> : vector<64x128xf32>
    %dot_general3A_35 = tpu.matmul %transpose3A, %add3A_28, %dot_general3A {dimension_numbers = #tpu.dot_dimension_numbers<[1], [0], [0], [1], [0, 0, 1, 1], [], []>, transpose_lhs_hint = false} : vector<64x10240xf32>, vector<10240x128xf32>, vector<64x128xf32> -> vector<64x128xf32>
    %transpose3A_36 = tpu.transpose %convert_element_type3A_34, [1, 0] : vector<10240x64xf32> -> vector<64x10240xf32>
    %mul3A_37 = arith.mulf %add3A_28, %add3A_28 : vector<10240x128xf32>
    %dot_general3A_38 = arith.constant dense<0.000000e+00> : vector<64x128xf32>
    %dot_general3A_39 = tpu.matmul %transpose3A_36, %mul3A_37, %dot_general3A_38 {dimension_numbers = #tpu.dot_dimension_numbers<[1], [0], [0], [1], [0, 0, 1, 1], [], []>, transpose_lhs_hint = false} : vector<64x10240xf32>, vector<10240x128xf32>, vector<64x128xf32> -> vector<64x128xf32>
    %reduce_sum3A = arith.constant dense<0.000000e+00> : vector<64xf32>
    %reduce_sum3A_40 = vector.multi_reduction <add>, %convert_element_type3A_34, %reduce_sum3A [0] : vector<10240x64xf32> to vector<64xf32>
    %broadcast_in_dim3A_41 = vector.shape_cast %reduce_sum3A_40 : vector<64xf32> to vector<64x1xf32>
    %max3A = arith.constant 1.000000e+00 : f32
    %max3A_42 = vector.broadcast %max3A : f32 to vector<64x1xf32>
    %max3A_43 = arith.maximumf %broadcast_in_dim3A_41, %max3A_42 : vector<64x1xf32>
    %div3A = vector.broadcast %max3A_43 : vector<64x1xf32> to vector<64x128xf32>
    %div3A_44 = arith.divf %dot_general3A_35, %div3A : vector<64x128xf32>
    %get3A_45 = arith.constant 0 : index
    %get3A_46 = arith.constant 0 : index
    %get3A_47 = vector.load %arg6[%get3A_45, %get3A_46] : memref<1x128xf32, #tpu.memory_space<vmem>>, vector<1x128xf32>
    %div3A_48 = vector.broadcast %max3A_43 : vector<64x1xf32> to vector<64x128xf32>
    %div3A_49 = arith.divf %dot_general3A_39, %div3A_48 : vector<64x128xf32>
    %mul3A_50 = arith.mulf %div3A_44, %div3A_44 : vector<64x128xf32>
    %mul3A_51 = vector.broadcast %get3A_47 : vector<1x128xf32> to vector<64x128xf32>
    %mul3A_52 = arith.mulf %mul3A_50, %mul3A_51 : vector<64x128xf32>
    %sub3A = arith.constant 2.000000e+00 : f32
    %sub3A_53 = vector.broadcast %sub3A : f32 to vector<1x128xf32>
    %sub3A_54 = arith.subf %sub3A_53, %get3A_47 : vector<1x128xf32>
    %mul3A_55 = vector.broadcast %sub3A_54 : vector<1x128xf32> to vector<64x128xf32>
    %mul3A_56 = arith.mulf %mul3A_52, %mul3A_55 : vector<64x128xf32>
    %sub3A_57 = arith.subf %div3A_49, %mul3A_56 : vector<64x128xf32>
    %add3A_58 = arith.constant 9.99999974E-6 : f32
    %add3A_59 = vector.broadcast %add3A_58 : f32 to vector<64x128xf32>
    %add3A_60 = arith.addf %sub3A_57, %add3A_59 : vector<64x128xf32>
    %rsqrt3A_61 = math.rsqrt %add3A_60 : vector<64x128xf32>
    %mul3A_62 = vector.broadcast %get3A_47 : vector<1x128xf32> to vector<64x128xf32>
    %mul3A_63 = arith.mulf %div3A_44, %mul3A_62 : vector<64x128xf32>
    %dot_general3A_64 = arith.constant dense<0.000000e+00> : vector<10240x128xf32>
    %dot_general3A_65 = tpu.matmul %convert_element_type3A_34, %mul3A_63, %dot_general3A_64 {dimension_numbers = #tpu.dot_dimension_numbers<[1], [0], [0], [1], [0, 0, 1, 1], [], []>, transpose_lhs_hint = false} : vector<10240x64xf32>, vector<64x128xf32>, vector<10240x128xf32> -> vector<10240x128xf32>
    %sub3A_66 = arith.subf %add3A_28, %dot_general3A_65 : vector<10240x128xf32>
    %get3A_67 = arith.constant 0 : index
    %get3A_68 = arith.constant 0 : index
    %get3A_69 = vector.load %arg4[%get3A_67, %get3A_68] : memref<1x128xf32, #tpu.memory_space<vmem>>, vector<1x128xf32>
    %mul3A_70 = vector.broadcast %get3A_69 : vector<1x128xf32> to vector<10240x128xf32>
    %mul3A_71 = arith.mulf %mul3A_70, %sub3A_66 : vector<10240x128xf32>
    %dot_general3A_72 = arith.constant dense<0.000000e+00> : vector<10240x128xf32>
    %dot_general3A_73 = tpu.matmul %convert_element_type3A_34, %rsqrt3A_61, %dot_general3A_72 {dimension_numbers = #tpu.dot_dimension_numbers<[1], [0], [0], [1], [0, 0, 1, 1], [], []>, transpose_lhs_hint = false} : vector<10240x64xf32>, vector<64x128xf32>, vector<10240x128xf32> -> vector<10240x128xf32>
    %mul3A_74 = arith.mulf %mul3A_71, %dot_general3A_73 : vector<10240x128xf32>
    %get3A_75 = arith.constant 0 : index
    %get3A_76 = arith.constant 0 : index
    %get3A_77 = vector.load %arg5[%get3A_75, %get3A_76] : memref<1x128xf32, #tpu.memory_space<vmem>>, vector<1x128xf32>
    %add3A_78 = vector.broadcast %get3A_77 : vector<1x128xf32> to vector<10240x128xf32>
    %add3A_79 = arith.addf %mul3A_74, %add3A_78 : vector<10240x128xf32>
    %max3A_80 = arith.constant 0.000000e+00 : f32
    %max3A_81 = vector.broadcast %max3A_80 : f32 to vector<10240x128xf32>
    %max3A_82 = arith.maximumf %add3A_79, %max3A_81 : vector<10240x128xf32>
    %swap3A = arith.constant 0 : index
    %swap3A_83 = arith.constant 0 : index
    %swap3A_84 = vector.load %arg7[%swap3A, %swap3A_83] : memref<10240x128xf32, #tpu.memory_space<vmem>>, vector<10240x128xf32>
    tpu.vector_store %arg7[%swap3A, %swap3A_83], %max3A_82 {strides = array<i32>} : memref<10240x128xf32, #tpu.memory_space<vmem>>, vector<10240x128xf32>,
    return
  }
}

</mosaic_0001>

<sc_bundles>
// kernel: kernel.6.cloned.1.call-start
scs
__scs_entry_jumppad:
0x0: {  	(pc) =	sbr.rel $0x88, $3  }
0x1: {  	(tag) =	ssettag $0x0;
	lr =	simm.s32 $0x1  }
0x2: {  	[smem:$0x3F99] =	sst lr;
	_ =	strace $0xD0000000  }
0x3: {  	_ = 	snop  }
0x4: {  	_ = 	snop  }
0x5: {  	_ = 	snop  }
0x6: {  	_ = 	snop  }
0x7: {  	_ = 	snop  }
__scs_overlays_trampoline_lowered:
0x8: {  	[smem:$0x3FA8] =	sst s0  }
0x9: {  	[smem:$0x3FA9] =	sst s1  }
0xa: {  	[smem:$0x3FAA] =	sst s2  }
0xb: {  	[smem:$0x3FAB] =	sst s3  }
0xc: {  	[smem:$0x3FAC] =	sst s4  }
0xd: {  	[smem:$0x3FAD] =	sst s5  }
0xe: {  	[smem:$0x3FAE] =	sst s6  }
0xf: {  	[smem:$0x3FAF] =	sst s7  }
0x10: {  	[smem:$0x3FB0] =	sst s8  }
0x11: {  	[smem:$0x3FB1] =	sst s9;
	s0 =	simm.s32 @!p0 $0x0  }
0x12: {  	s1 =	sld [smem:$0x3F97];
	s0 =	simm.s32 @p0 $0x1  }
0x13: {  	[smem:$0x3FB2] =	sst s0;
	s0 =	simm.s32 @!p1 $0x0  }
0x14: {  	s2 =	sld [smem:$0x3F96];
	s0 =	simm.s32 @p1 $0x1  }
0x15: {  	[smem:$0x3FB3] =	sst s0;
	s0 =	simm.s32 @!p2 $0x0  }
0x16: {  	s3 =	sld [smem:$0x3FDB];
	s0 =	simm.s32 @p2 $0x1  }
0x17: {  	s4 =	simm.s32 $0x1BF5;
	[smem:$0x3FB5] =	sst s0  }
0x18: {  	s0 =	sld [smem:$0x3F98];
	_ =	swait.ge [sflag:s4], $0x0  }
0x19: {  	s7 =	sld [smem:$0x3F99]  }
0x1a: {  	s8 =	sadd.s32 $0xFFFFE003, lr  }
0x1b: {  	s9 =	sadd.s32 $0xFFFFFEF7, lr;
	s5 =	simm.s32 $0xFFFFFFFF;
	p2 =	slt.u32 s8, $0xFFFFF086  }
0x1c: {  	p1 =	slt.u32 s9, $0xF7A;
	s5 =	simm.s32 @!p2 $0x0  }
0x1d: {  	s5 =	simm.s32 @p1 $0x1;
	p0 =	seq.s32 s7, s2  }
0x1e: {  	s7 =	smul.u32 @!p0 $0xF7A, s2;
	p2 =	seq.s32 @!p0 s5, $0x0  }
0x1f: {  	s9 =	smul.u32 $0xF7A, s1;
	s8 =	simm.s32 @!p0 $0x1BF5;
	p2 =	por !p2, p0  }
0x20: {  	[sflag:s8] =	ssyncset.s32 @!p0 $0xFFFFF086;
	s6 =	sadd.s32 @!p0 s3, s7;
	s7 =	simm.s32 @!p0 $0x108  }
0x21: {  	s3 =	sadd.s32 s3, s9;
	s6 =	sadd.s32 @!p0 $0x88, s6;
	s7 =	simm.s32 @p2 $0x1082  }
0x22: {  	[simem:s7], [sflag:s8] =	dma.local @!p0 [hbm:s6], $0xF7A  }
0x23: {  	s9 =	sor.u32 $0xD0000000, s2;
	s6 =	simm.s32 $0x108;
	_ =	swait.ge @!p0 [sflag:s8], $0x0  }
0x24: {  	s3 =	sadd.s32 $0x88, s3;
	s6 =	simm.s32 @!p1 $0x1082;
	[sflag:s4] =	ssyncset.s32 $0xFFFFF086  }
0x25: {  	[simem:s6], [sflag:s4] =	dma.local [hbm:s3], $0xF7A  }
0x26: {  	[smem:$0x3F99] =	sst s1;
	(tag) =	ssettag s2;
	_ =	strace s9  }
0x27: {  	s1 =	sld [smem:$0x3FA9]  }
0x28: {  	s2 =	sld [smem:$0x3FAA]  }
0x29: {  	s4 =	sld [smem:$0x3FAC]  }
0x2a: {  	p0 =	seq.s32 s5, $0x0;
	s5 =	sld [smem:$0x3FAD]  }
0x2b: {  	s6 =	sld [smem:$0x3FAE]  }
0x2c: {  	s7 =	sld [smem:$0x3FAF]  }
0x2d: {  	s3 =	simm.s32 $0x108;
	s8 =	sld [smem:$0x3FB0]  }
0x2e: {  	s3 =	simm.s32 @!p0 $0x1082;
	s9 =	sld [smem:$0x3FB1]  }
0x2f: {  	lr =	sadd.s32 s0, s3;
	s0 =	sld [smem:$0x3FA8]  }
0x30: {  	s3 =	sld [smem:$0x3FAB]  }
0x31: {  	[smem:$0x3FB4] =	sst s10  }
0x32: {  	s10 =	sld [smem:$0x3FB2];
	_ =	sdelay $0x3  }
0x33: {  	p0 =	seq.s32 s10, $0x1;
	s10 =	sld [smem:$0x3FB4];
	_ =	sdelay $0x3  }
0x34: {  	[smem:$0x3FB4] =	sst s10  }
0x35: {  	s10 =	sld [smem:$0x3FB3];
	_ =	sdelay $0x3  }
0x36: {  	p1 =	seq.s32 s10, $0x1;
	s10 =	sld [smem:$0x3FB4];
	_ =	sdelay $0x3  }
0x37: {  	[smem:$0x3FB4] =	sst s10  }
0x38: {  	s10 =	sld [smem:$0x3FB5]  }
0x39: {  	_ = 	snop;
	(pc) =	sbr.ind lr, $3  }
0x3a: {  	_ = 	snop  }
0x3b: {  	_ = 	snop  }
0x3c: {  	p2 =	seq.s32 s10, $0x1;
	s10 =	sld [smem:$0x3FB4]  }
0x3d: {  	_ =	shalt  }
0x3e: {  	_ =	shalt  }
0x3f: {  	_ =	shalt  }
0x40: {  	_ =	shalt  }
0x41: {  	_ =	shalt  }
0x42: {  	_ =	shalt  }
0x43: {  	_ =	shalt  }
0x44: {  	_ =	shalt  }
0x45: {  	_ =	shalt  }
0x46: {  	_ =	shalt  }
0x47: {  	_ =	shalt  }
0x48: {  	_ =	shalt  }
0x49: {  	_ =	shalt  }
0x4a: {  	_ =	shalt  }
0x4b: {  	_ =	shalt  }
0x4c: {  	_ =	shalt  }
0x4d: {  	_ =	shalt  }
0x4e: {  	_ =	shalt  }
0x4f: {  	_ =	shalt  }
0x50: {  	_ =	shalt  }
0x51: {  	_ =	shalt  }
0x52: {  	_ =	shalt  }
0x53: {  	_ =	shalt  }
0x54: {  	_ =	shalt  }
0x55: {  	_ =	shalt  }
0x56: {  	_ =	shalt  }
0x57: {  	_ =	shalt  }
0x58: {  	_ =	shalt  }
0x59: {  	_ =	shalt  }
0x5a: {  	_ =	shalt  }
0x5b: {  	_ =	shalt  }
0x5c: {  	_ =	shalt  }
0x5d: {  	_ =	shalt  }
0x5e: {  	_ =	shalt  }
0x5f: {  	_ =	shalt  }
0x60: {  	_ =	shalt  }
0x61: {  	_ =	shalt  }
0x62: {  	_ =	shalt  }
0x63: {  	_ =	shalt  }
0x64: {  	_ =	shalt  }
0x65: {  	_ =	shalt  }
0x66: {  	_ =	shalt  }
0x67: {  	_ =	shalt  }
0x68: {  	_ =	shalt  }
0x69: {  	_ =	shalt  }
0x6a: {  	_ =	shalt  }
0x6b: {  	_ =	shalt  }
0x6c: {  	_ =	shalt  }
0x6d: {  	_ =	shalt  }
0x6e: {  	_ =	shalt  }
0x6f: {  	_ =	shalt  }
0x70: {  	_ =	shalt  }
0x71: {  	_ =	shalt  }
0x72: {  	_ =	shalt  }
0x73: {  	_ =	shalt  }
0x74: {  	_ =	shalt  }
0x75: {  	_ =	shalt  }
0x76: {  	_ =	shalt  }
0x77: {  	_ =	shalt  }
0x78: {  	_ =	shalt  }
0x79: {  	_ =	shalt  }
0x7a: {  	_ =	shalt  }
0x7b: {  	_ =	shalt  }
0x7c: {  	_ =	shalt  }
0x7d: {  	_ =	shalt  }
0x7e: {  	_ =	shalt  }
0x7f: {  	_ =	shalt  }
0x80: {  	_ =	shalt  }
0x81: {  	_ =	shalt  }
0x82: {  	_ =	shalt  }
0x83: {  	_ =	shalt  }
0x84: {  	_ =	shalt  }
0x85: {  	_ =	shalt  }
0x86: {  	_ =	shalt  }
0x87: {  	_ =	shalt  }
.Lfunc_end0:
.L_simem_size_0:
called_computation_lowered:
.L_overlay_start_0:
0x88: {  	s2 =	sld [smem:$0x3FD9]  }
0x89: {  	s3 =	sld [smem:$0x3FFE];
	_ =	sdelay $0x1  }
0x8a: {  	s1 =	srdreg.scid  }
0x8b: {  	s0 =	sand.u32 $0x1, s1  }
0x8c: {  	s17 =	sshll.u32 s0, $0xA;
	s2 =	sadd.s32 s3, s2  }
0x8d: {  	s2 =	sadd.s32 s2, s17  }
0x8e: {  	[smem:$0x3FC0] =	sst s2  }
0x8f: {  	_ = 	snop  }
0x90: {  	s2 =	sld [smem:$0x3FD0];
	(tm) =	ssettm $0x1  }
0x91: {  	s18 =	sld [smem:$0x3FFB];
	_ =	sdelay $0x3  }
0x92: {  	_ =	strace s18  }
0x93: {  	s3 =	sld [smem:$0x3FFC];
	_ =	sdelay $0x3  }
0x94: {  	_ =	strace s3  }
0x95: {  	s3 =	sld [smem:$0x3FFD];
	_ =	sdelay $0x3  }
0x96: {  	_ =	strace s3  }
0x97: {  	_ =	strace $0x8FFFFFFF  }
0x98: {  	s19 =	sld [smem:$0x3FDB];
	_ =	sdelay $0x1  }
0x99: {  	s4 =	simm.s32 $_scs_section_size  }
0x9a: {  	s5 =	simm.s32 $_size__tile_overlayer_lowered;
	s6 =	simm.s32 $_tile_overlayer_lowered  }
0x9b: {  	s22 =	simm.s32 $0x1BFF;
	s21 =	sshll.u32 s6, $0x1;
	s3 =	sadd.s32 s4, s19  }
0x9c: {  	s7 =	simm.s32 $0x0;
	s20 =	sshll.u32 s5, $0x1;
	s5 =	sadd.s32 s21, s3  }
0x9d: {  	[timem:s7], [sflag:s22] =	dma.local [hbm:s5], s20  }
0x9e: {  	_ =	swait.ge [sflag:s22], s20  }
0x9f: {  	s4 =	ssub.s32 $0x0, s20;
	[sflag:s22] =	ssyncset.done $0x0  }
0xa0: {  	[sflag:s22] =	ssyncadd.s32 s4;
	_ =	sdelay $0x1  }
0xa1: {  	s23 =	simm.s32 $0x1B8B  }
0xa2: {  	_ =	swait.ge [sflag:s23], $0x1  }
0xa3: {  	[sflag:s23] =	ssyncset.done $0x0  }
0xa4: {  	s25 =	simm.s32 $0x1B8E;
	s24 =	sld [smem:$0x3FFE];
	[sflag:s23] =	ssyncadd.s32 $0xFFFFFFFF  }
0xa5: {  	s26 =	simm.s32 $execute0_lowered;
	[smem:$0x3FD2] =	sst s25  }
0xa6: {  	s5 =	sshll.u32 s26, $0x1;
	_ =	strace $0x80000046;
	[dreg:$0x1] =	wrdreg $0xFFFFFFFF  }
0xa7: {  	s28 =	simm.s32 $_size_execute0_lowered;
	s3 =	sadd.s32 s3, s5;
	[dreg:$0x0] =	wrdreg $0x0  }
0xa8: {  	s5 =	sshll.u32 s28, $0x1;
	[dreg:$0x2] =	wrdreg s3  }
0xa9: {  	[dreg:$0x3] =	wrdreg s5  }
0xaa: {  	[dreg:$0x4] =	wrdreg $0xC0  }
0xab: {  	_ =	task [dreg:s7], $0x5FFFF  }
0xac: {  	[dreg:$0x1] =	wrdreg $0xFFFFFFFF  }
0xad: {  	[dreg:$0x0] =	wrdreg $0x60  }
0xae: {  	[dreg:$0x2] =	wrdreg s2  }
0xaf: {  	[dreg:$0x3] =	wrdreg s24  }
0xb0: {  	[dreg:$0x4] =	wrdreg $0x68000  }
0xb1: {  	[dreg:$0x5] =	wrdreg $0x9  }
0xb2: {  	_ =	task.clear_ibuf [dreg:s7], $0x6FFFF;
	_ =	strace $0x90000046  }
0xb3: {  	s29 =	simm.s32 $0x9;
	_ =	strace $0x80000048  }
0xb4: {  	_ =	swait.ge [sflag:s29], $0x1  }
0xb5: {  	[sflag:s29] =	ssyncadd.s32 $0xFFFFFFFF  }
0xb6: {  	_ =	strace $0x90000048  }
0xb7: {  	_ =	sfence  }
0xb8: {  	s30 =	sld [smem:$0x0];
	_ =	sdelay $0x2  }
0xb9: {  	s31 =	sshll.u32 s1, $0xD;
	s1 =	sshrl.u32 s1, $0x2  }
0xba: {  	s3 =	sand.u32 $0x4000, s31;
	s1 =	sadd.s32 s1, s30  }
0xbb: {  	s0 =	sor.u32 s3, s0;
	s1 =	sshll.u32 s1, $0x11  }
0xbc: {  	s0 =	sor.u32 s1, s0  }
0xbd: {  	s0 =	sadd.s32 $0x8F2B, s0  }
0xbe: {  	[sflag:s0] =	ssyncadd.remote.s32 $0x1  }
0xbf: {  	_ =	sfence.sel $0xFFFF  }
0xc0: {  	[dreg:$0x0] =	wrdreg $0xFFFFFFFF;
	(pc) =	sbr.abs _section_cstart, $3  }
0xc1: {  	[dreg:$0x1] =	wrdreg $0xFFFFFFFF  }
0xc2: {  	_ =	task.clear_ibuf [dreg:s7], $0x2FFFF;
	_ =	strace $0x9FFFFFFF  }
0xc3: {  	(tm) =	ssettm $0x7FFFFFFF  }
tec
execute0_lowered:
.L_overlay_start_1:
0x0: {  	(tag) =	ssettag $0x1  }
0x1: {  	s7 =	rddreg [dreg:$0x0]  }
0x2: {  	s5 =	rddreg [dreg:$0x1]  }
0x3: {  	s2 =	rddreg [dreg:$0x2]  }
0x4: {  	s0 =	rddreg [dreg:$0x3]  }
0x5: {  	s1 =	stileid.u32;
	s4 =	srdreg.scid  }
0x6: {  	s3 =	simm.s32 $0x0;
	s15 =	simm.s32 $0x0;
	s6 =	smul.u32 $0x14000, s1  }
0x7: {  	s8 =	sand.u32 $0x1, s4;
	[smem:$0x7FF] =	sst s3;
	s4 =	sadd.s32 $0x33C00, s5  }
0x8: {  	s12 =	smul.u32 $0x50000, s1;
	s13 =	sshll.u32 s1, $0x1;
	s30 =	sshll.u32 s1, $0x6  }
0x9: {  	s9 =	smul.u32 $0x140000, s8;
	_ =	strace $0x80000047;
	s26 =	ssub.s32 $0x2, s8  }
0xa: {  	s28 =	sor.u32 s8, s13;
	s13 =	simm.s32 $0x80;
	s10 =	sshrl.u32 s6, $0x3  }
0xb: {  	s11 =	sshrl.u32 s26, $0x1;
	s29 =	sshrl.u32 s12, $0x2;
	s31 =	smul.u32 $0x500, s28  }
0xc: {  	s6 =	sadd.s32 s6, s9;
	s25 =	sadd.s32 s10, s5;
	s10 =	ssub.s32 s26, s11  }
0xd: {  	s12 =	sadd.s32 s29, s2;
	s11 =	simm.s32 $0x2;
	s6 =	sshrl.u32 s6, $0x3  }
0xe: {  	s7 =	sadd.s32 s7, s31;
	s9 =	smax.u32 s10, $0x1;
	s10 =	sshrl.u32 s12, $0x3  }
0xf: {  	s12 =	simm.s32 $0x2800;
	s14 =	sadd.s32 s6, s5;
	s5 =	sadd.s32 $0xBC00, s25  }
0x10: {  	s6 =	sor.u32 $0x1C02, s30;
	s8 =	sadd.s32 $0x34400, s14;
	s14 =	simm.s32 $0x1  }
.LBB2_1:
0x11: {  	[spmem:s10], [sflag:s6] =	dma.local [hbm:s5], $0x2800  }
0x12: {  	_ =	swait.ge [sflag:s11], $0x2800  }
0x13: {  	[sflag:s11] =	ssyncset.done $0x0  }
0x14: {  	[sflag:s11] =	ssyncadd.s32 $0xFFFFD800  }
0x15: {  	[tilespmem:s3], [sflag:$0x2] =	stream.linear.gather [hbm4b:s7+s3], $0x2800, $0x38;
	[tilespmem:$0x7C00] =	vst v63  }
0x16: {  	_ =	swait.ge [sflag:s11], $0x2800  }
0x17: {  	[sflag:s11] =	ssyncset.done $0x0  }
0x18: {  	[sflag:s11] =	ssyncadd.s32 $0xFFFFD800  }
0x19: {  	[tilespmem:s12], [sflag:$0x2] =	stream.linear.gather [hbm4b:s4+s3], $0x4000, $0x38;
	[tilespmem:$0x7C00] =	vst v63  }
0x1a: {  	_ =	swait.ge [sflag:s11], $0x4000  }
0x1b: {  	[sflag:s11] =	ssyncset.done $0x0  }
0x1c: {  	[sflag:s11] =	ssyncadd.s32 $0xFFFFC000  }
0x1d: {  	s16 =	simm.s32 $0x0;
	[bflag:$0x0] =	sbarrier.arrive $0xFFFF  }
.LBB2_2:
0x1e: {  	p0 =	sne.s32 s16, $0x9E00  }
.Ltmp0:
0x1f: {  	_ = 	snop;
	(pc) =	sbr.rel @p0 .LBB2_2-.Ltmp0, $3  }
0x20: {  	_ =	sdelay $0x1  }
0x21: {  	s17 =	sshra.s32 s16, $0x2;
	s16 =	sadd.s32 $0x200, s16  }
0x22: {  	[spmem:s2] =	stream.indirect.scatter.add.f32 [tilespmem:s12], [sflag:$0x1], $0x8, s17, s13, $0xb8;
	[tilespmem:$0x7C00] =	vst v63  }
0x23: {  	_ =	swait.ge [sflag:s14], $0x400  }
0x24: {  	s16 =	simm.s32 $0x4F;
	[sflag:s14] =	ssyncset.done $0x0  }
.LBB2_4:
0x25: {  	p0 =	sne.s32 s16, $0x1;
	s16 =	sadd.s32 $0xFFFFFFFF, s16;
	[sflag:s14] =	ssyncadd.s32 $0xFFFFFC00  }
.Ltmp1:
0x26: {  	(pc) =	sbr.rel @p0 .LBB2_4-.Ltmp1, $3  }
0x27: {  	_ =	sdelay $0x1  }
0x28: {  	_ =	swait.ge [sflag:s14], $0x400  }
0x29: {  	[sflag:s14] =	ssyncset.done $0x0  }
0x2a: {  	s15 =	sadd.s32 $0x1, s15  }
0x2b: {  	[sflag:s14] =	ssyncadd.s32 $0xFFFFFC00;
	p0 =	sne.s32 s15, s9  }
.Ltmp2:
0x2c: {  	[bflag:$0x0] =	sbarrier.arrive $0xFFFF;
	(pc) =	sbr.rel @p0 .LBB2_1-.Ltmp2, $4  }
0x2d: {  	[hbm:s8], [sflag:s6] =	dma.local [spmem:s10], $0x2800  }
0x2e: {  	_ =	swait.ge [sflag:s11], $0x2800  }
0x2f: {  	[sflag:s11] =	ssyncset.done $0x0  }
0x30: {  	[sflag:s11] =	ssyncadd.s32 $0xFFFFD800  }
0x31: {  	_ =	sfence.sel $0x180000  }
0x32: {  	[bflag:$0x0] =	sbarrier.arrive $0xFFFF  }
0x33: {  	p0 =	sne.s32 s1, $0x0;
	_ =	strace $0x90000047  }
0x34: {  	s0 =	sadd.s32 @!p0 $0x100000, s0;
	[bflag:$0x2] =	sbarrier.arrive $0xFFFF  }
0x35: {  	[sflag:s0] =	ssyncadd.tile.s32 @!p0 $0x1;
	_ =	shalt  }
.Lfunc_end2:
_tile_overlayer_lowered:
.L_overlay_start_2:
0x36: {  	(tag) =	ssettag $0x2  }
0x37: {  	s0 =	rddreg [dreg:$0x0];
	s2 =	stileid.u32  }
0x38: {  	s1 =	rddreg [dreg:$0x1];
	p0 =	sne.s32 s2, $0x0  }
0x39: {  	s3 =	rddreg [dreg:$0x2];
	[bflag:$0x3] =	sbarrier.arrive $0xFFFF;
	s2 =	simm.s32 @!p0 $0x1C02  }
0x3a: {  	[timem:s3], [sflag:s2] =	dma.local @!p0 [hbm:s0], s1  }
0x3b: {  	s0 =	simm.s32 @!p0 $0x2  }
0x3c: {  	_ =	swait.ge @!p0 [sflag:s0], s1  }
0x3d: {  	s1 =	ssub.s32 @!p0 $0x0, s1;
	[sflag:s0] =	ssyncset.done @!p0 $0x0  }
0x3e: {  	[sflag:s0] =	ssyncadd.s32 @!p0 s1  }
0x3f: {  	[bflag:$0x3] =	sbarrier.arrive $0xFFFF  }
0x40: {  	_ =	shalt  }

// kernel: kernel.9.cloned.1.call-start
scs
__scs_entry_jumppad:
0x0: {  	(pc) =	sbr.rel $0x88, $3  }
0x1: {  	(tag) =	ssettag $0x0;
	lr =	simm.s32 $0x1  }
0x2: {  	[smem:$0x3F99] =	sst lr;
	_ =	strace $0xD0000000  }
0x3: {  	_ = 	snop  }
0x4: {  	_ = 	snop  }
0x5: {  	_ = 	snop  }
0x6: {  	_ = 	snop  }
0x7: {  	_ = 	snop  }
__scs_overlays_trampoline_lowered:
0x8: {  	[smem:$0x3FA8] =	sst s0  }
0x9: {  	[smem:$0x3FA9] =	sst s1  }
0xa: {  	[smem:$0x3FAA] =	sst s2  }
0xb: {  	[smem:$0x3FAB] =	sst s3  }
0xc: {  	[smem:$0x3FAC] =	sst s4  }
0xd: {  	[smem:$0x3FAD] =	sst s5  }
0xe: {  	[smem:$0x3FAE] =	sst s6  }
0xf: {  	[smem:$0x3FAF] =	sst s7  }
0x10: {  	[smem:$0x3FB0] =	sst s8  }
0x11: {  	[smem:$0x3FB1] =	sst s9;
	s0 =	simm.s32 @!p0 $0x0  }
0x12: {  	s1 =	sld [smem:$0x3F97];
	s0 =	simm.s32 @p0 $0x1  }
0x13: {  	[smem:$0x3FB2] =	sst s0;
	s0 =	simm.s32 @!p1 $0x0  }
0x14: {  	s2 =	sld [smem:$0x3F96];
	s0 =	simm.s32 @p1 $0x1  }
0x15: {  	[smem:$0x3FB3] =	sst s0;
	s0 =	simm.s32 @!p2 $0x0  }
0x16: {  	s3 =	sld [smem:$0x3FDB];
	s0 =	simm.s32 @p2 $0x1  }
0x17: {  	s4 =	simm.s32 $0x1BF5;
	[smem:$0x3FB5] =	sst s0  }
0x18: {  	s0 =	sld [smem:$0x3F98];
	_ =	swait.ge [sflag:s4], $0x0  }
0x19: {  	s7 =	sld [smem:$0x3F99]  }
0x1a: {  	s8 =	sadd.s32 $0xFFFFE003, lr  }
0x1b: {  	s9 =	sadd.s32 $0xFFFFFEF7, lr;
	s5 =	simm.s32 $0xFFFFFFFF;
	p2 =	slt.u32 s8, $0xFFFFF086  }
0x1c: {  	p1 =	slt.u32 s9, $0xF7A;
	s5 =	simm.s32 @!p2 $0x0  }
0x1d: {  	s5 =	simm.s32 @p1 $0x1;
	p0 =	seq.s32 s7, s2  }
0x1e: {  	s7 =	smul.u32 @!p0 $0xF7A, s2;
	p2 =	seq.s32 @!p0 s5, $0x0  }
0x1f: {  	s9 =	smul.u32 $0xF7A, s1;
	s8 =	simm.s32 @!p0 $0x1BF5;
	p2 =	por !p2, p0  }
0x20: {  	[sflag:s8] =	ssyncset.s32 @!p0 $0xFFFFF086;
	s6 =	sadd.s32 @!p0 s3, s7;
	s7 =	simm.s32 @!p0 $0x108  }
0x21: {  	s3 =	sadd.s32 s3, s9;
	s6 =	sadd.s32 @!p0 $0x88, s6;
	s7 =	simm.s32 @p2 $0x1082  }
0x22: {  	[simem:s7], [sflag:s8] =	dma.local @!p0 [hbm:s6], $0xF7A  }
0x23: {  	s9 =	sor.u32 $0xD0000000, s2;
	s6 =	simm.s32 $0x108;
	_ =	swait.ge @!p0 [sflag:s8], $0x0  }
0x24: {  	s3 =	sadd.s32 $0x88, s3;
	s6 =	simm.s32 @!p1 $0x1082;
	[sflag:s4] =	ssyncset.s32 $0xFFFFF086  }
0x25: {  	[simem:s6], [sflag:s4] =	dma.local [hbm:s3], $0xF7A  }
0x26: {  	[smem:$0x3F99] =	sst s1;
	(tag) =	ssettag s2;
	_ =	strace s9  }
0x27: {  	s1 =	sld [smem:$0x3FA9]  }
0x28: {  	s2 =	sld [smem:$0x3FAA]  }
0x29: {  	s4 =	sld [smem:$0x3FAC]  }
0x2a: {  	p0 =	seq.s32 s5, $0x0;
	s5 =	sld [smem:$0x3FAD]  }
0x2b: {  	s6 =	sld [smem:$0x3FAE]  }
0x2c: {  	s7 =	sld [smem:$0x3FAF]  }
0x2d: {  	s3 =	simm.s32 $0x108;
	s8 =	sld [smem:$0x3FB0]  }
0x2e: {  	s3 =	simm.s32 @!p0 $0x1082;
	s9 =	sld [smem:$0x3FB1]  }
0x2f: {  	lr =	sadd.s32 s0, s3;
	s0 =	sld [smem:$0x3FA8]  }
0x30: {  	s3 =	sld [smem:$0x3FAB]  }
0x31: {  	[smem:$0x3FB4] =	sst s10  }
0x32: {  	s10 =	sld [smem:$0x3FB2];
	_ =	sdelay $0x3  }
0x33: {  	p0 =	seq.s32 s10, $0x1;
	s10 =	sld [smem:$0x3FB4];
	_ =	sdelay $0x3  }
0x34: {  	[smem:$0x3FB4] =	sst s10  }
0x35: {  	s10 =	sld [smem:$0x3FB3];
	_ =	sdelay $0x3  }
0x36: {  	p1 =	seq.s32 s10, $0x1;
	s10 =	sld [smem:$0x3FB4];
	_ =	sdelay $0x3  }
0x37: {  	[smem:$0x3FB4] =	sst s10  }
0x38: {  	s10 =	sld [smem:$0x3FB5]  }
0x39: {  	_ = 	snop;
	(pc) =	sbr.ind lr, $3  }
0x3a: {  	_ = 	snop  }
0x3b: {  	_ = 	snop  }
0x3c: {  	p2 =	seq.s32 s10, $0x1;
	s10 =	sld [smem:$0x3FB4]  }
0x3d: {  	_ =	shalt  }
0x3e: {  	_ =	shalt  }
0x3f: {  	_ =	shalt  }
0x40: {  	_ =	shalt  }
0x41: {  	_ =	shalt  }
0x42: {  	_ =	shalt  }
0x43: {  	_ =	shalt  }
0x44: {  	_ =	shalt  }
0x45: {  	_ =	shalt  }
0x46: {  	_ =	shalt  }
0x47: {  	_ =	shalt  }
0x48: {  	_ =	shalt  }
0x49: {  	_ =	shalt  }
0x4a: {  	_ =	shalt  }
0x4b: {  	_ =	shalt  }
0x4c: {  	_ =	shalt  }
0x4d: {  	_ =	shalt  }
0x4e: {  	_ =	shalt  }
0x4f: {  	_ =	shalt  }
0x50: {  	_ =	shalt  }
0x51: {  	_ =	shalt  }
0x52: {  	_ =	shalt  }
0x53: {  	_ =	shalt  }
0x54: {  	_ =	shalt  }
0x55: {  	_ =	shalt  }
0x56: {  	_ =	shalt  }
0x57: {  	_ =	shalt  }
0x58: {  	_ =	shalt  }
0x59: {  	_ =	shalt  }
0x5a: {  	_ =	shalt  }
0x5b: {  	_ =	shalt  }
0x5c: {  	_ =	shalt  }
0x5d: {  	_ =	shalt  }
0x5e: {  	_ =	shalt  }
0x5f: {  	_ =	shalt  }
0x60: {  	_ =	shalt  }
0x61: {  	_ =	shalt  }
0x62: {  	_ =	shalt  }
0x63: {  	_ =	shalt  }
0x64: {  	_ =	shalt  }
0x65: {  	_ =	shalt  }
0x66: {  	_ =	shalt  }
0x67: {  	_ =	shalt  }
0x68: {  	_ =	shalt  }
0x69: {  	_ =	shalt  }
0x6a: {  	_ =	shalt  }
0x6b: {  	_ =	shalt  }
0x6c: {  	_ =	shalt  }
0x6d: {  	_ =	shalt  }
0x6e: {  	_ =	shalt  }
0x6f: {  	_ =	shalt  }
0x70: {  	_ =	shalt  }
0x71: {  	_ =	shalt  }
0x72: {  	_ =	shalt  }
0x73: {  	_ =	shalt  }
0x74: {  	_ =	shalt  }
0x75: {  	_ =	shalt  }
0x76: {  	_ =	shalt  }
0x77: {  	_ =	shalt  }
0x78: {  	_ =	shalt  }
0x79: {  	_ =	shalt  }
0x7a: {  	_ =	shalt  }
0x7b: {  	_ =	shalt  }
0x7c: {  	_ =	shalt  }
0x7d: {  	_ =	shalt  }
0x7e: {  	_ =	shalt  }
0x7f: {  	_ =	shalt  }
0x80: {  	_ =	shalt  }
0x81: {  	_ =	shalt  }
0x82: {  	_ =	shalt  }
0x83: {  	_ =	shalt  }
0x84: {  	_ =	shalt  }
0x85: {  	_ =	shalt  }
0x86: {  	_ =	shalt  }
0x87: {  	_ =	shalt  }
.Lfunc_end0:
.L_simem_size_0:
called_computation.1_lowered:
.L_overlay_start_0:
0x88: {  	s2 =	sld [smem:$0x3FD9]  }
0x89: {  	s3 =	sld [smem:$0x3FFE];
	_ =	sdelay $0x1  }
0x8a: {  	s1 =	srdreg.scid  }
0x8b: {  	s0 =	sand.u32 $0x1, s1  }
0x8c: {  	s17 =	sshll.u32 s0, $0xA;
	s2 =	sadd.s32 s3, s2  }
0x8d: {  	s2 =	sadd.s32 s2, s17  }
0x8e: {  	[smem:$0x3FC0] =	sst s2  }
0x8f: {  	_ = 	snop  }
0x90: {  	s2 =	sld [smem:$0x3FD0];
	(tm) =	ssettm $0x1  }
0x91: {  	s18 =	sld [smem:$0x3FFB];
	_ =	sdelay $0x3  }
0x92: {  	_ =	strace s18  }
0x93: {  	s3 =	sld [smem:$0x3FFC];
	_ =	sdelay $0x3  }
0x94: {  	_ =	strace s3  }
0x95: {  	s3 =	sld [smem:$0x3FFD];
	_ =	sdelay $0x3  }
0x96: {  	_ =	strace s3  }
0x97: {  	_ =	strace $0x8FFFFFFF  }
0x98: {  	s19 =	sld [smem:$0x3FDB];
	_ =	sdelay $0x1  }
0x99: {  	s4 =	simm.s32 $_scs_section_size  }
0x9a: {  	s5 =	simm.s32 $_size__tile_overlayer_lowered;
	s6 =	simm.s32 $_tile_overlayer_lowered  }
0x9b: {  	s22 =	simm.s32 $0x1BFF;
	s21 =	sshll.u32 s6, $0x1;
	s3 =	sadd.s32 s4, s19  }
0x9c: {  	s7 =	simm.s32 $0x0;
	s20 =	sshll.u32 s5, $0x1;
	s5 =	sadd.s32 s21, s3  }
0x9d: {  	[timem:s7], [sflag:s22] =	dma.local [hbm:s5], s20  }
0x9e: {  	_ =	swait.ge [sflag:s22], s20  }
0x9f: {  	s4 =	ssub.s32 $0x0, s20;
	[sflag:s22] =	ssyncset.done $0x0  }
0xa0: {  	[sflag:s22] =	ssyncadd.s32 s4;
	_ =	sdelay $0x1  }
0xa1: {  	s23 =	simm.s32 $0x1B8B  }
0xa2: {  	_ =	swait.ge [sflag:s23], $0x1  }
0xa3: {  	[sflag:s23] =	ssyncset.done $0x0  }
0xa4: {  	s25 =	simm.s32 $0x1B8E;
	s24 =	sld [smem:$0x3FFE];
	[sflag:s23] =	ssyncadd.s32 $0xFFFFFFFF  }
0xa5: {  	s26 =	simm.s32 $execute0_lowered;
	[smem:$0x3FD2] =	sst s25  }
0xa6: {  	s5 =	sshll.u32 s26, $0x1;
	_ =	strace $0x80000049;
	[dreg:$0x1] =	wrdreg $0xFFFFFFFF  }
0xa7: {  	s28 =	simm.s32 $_size_execute0_lowered;
	s3 =	sadd.s32 s3, s5;
	[dreg:$0x0] =	wrdreg $0x0  }
0xa8: {  	s5 =	sshll.u32 s28, $0x1;
	[dreg:$0x2] =	wrdreg s3  }
0xa9: {  	[dreg:$0x3] =	wrdreg s5  }
0xaa: {  	[dreg:$0x4] =	wrdreg $0xC0  }
0xab: {  	_ =	task [dreg:s7], $0x5FFFF  }
0xac: {  	[dreg:$0x1] =	wrdreg $0xFFFFFFFF  }
0xad: {  	[dreg:$0x0] =	wrdreg $0x60  }
0xae: {  	[dreg:$0x2] =	wrdreg s24  }
0xaf: {  	[dreg:$0x3] =	wrdreg s2  }
0xb0: {  	[dreg:$0x4] =	wrdreg $0x90000  }
0xb1: {  	[dreg:$0x5] =	wrdreg $0x9  }
0xb2: {  	_ =	task.clear_ibuf [dreg:s7], $0x6FFFF;
	_ =	strace $0x90000049  }
0xb3: {  	s29 =	simm.s32 $0x9;
	_ =	strace $0x8000004B  }
0xb4: {  	_ =	swait.ge [sflag:s29], $0x1  }
0xb5: {  	[sflag:s29] =	ssyncadd.s32 $0xFFFFFFFF  }
0xb6: {  	_ =	strace $0x9000004B  }
0xb7: {  	_ =	sfence  }
0xb8: {  	s30 =	sld [smem:$0x0];
	_ =	sdelay $0x2  }
0xb9: {  	s31 =	sshll.u32 s1, $0xD;
	s1 =	sshrl.u32 s1, $0x2  }
0xba: {  	s3 =	sand.u32 $0x4000, s31;
	s1 =	sadd.s32 s1, s30  }
0xbb: {  	s0 =	sor.u32 s3, s0;
	s1 =	sshll.u32 s1, $0x11  }
0xbc: {  	s0 =	sor.u32 s1, s0  }
0xbd: {  	s0 =	sadd.s32 $0x8F2B, s0  }
0xbe: {  	[sflag:s0] =	ssyncadd.remote.s32 $0x1  }
0xbf: {  	_ =	sfence.sel $0xFFFF  }
0xc0: {  	[dreg:$0x0] =	wrdreg $0xFFFFFFFF;
	(pc) =	sbr.abs _section_cstart, $3  }
0xc1: {  	[dreg:$0x1] =	wrdreg $0xFFFFFFFF  }
0xc2: {  	_ =	task.clear_ibuf [dreg:s7], $0x2FFFF;
	_ =	strace $0x9FFFFFFF  }
0xc3: {  	(tm) =	ssettm $0x7FFFFFFF  }
tec
execute0_lowered:
.L_overlay_start_1:
0x0: {  	(tag) =	ssettag $0x1  }
0x1: {  	s1 =	srdreg.scid;
	s5 =	rddreg [dreg:$0x0]  }
0x2: {  	s0 =	stileid.u32;
	s7 =	rddreg [dreg:$0x1]  }
0x3: {  	s2 =	rddreg [dreg:$0x2];
	s3 =	simm.s32 $0x0;
	s15 =	simm.s32 $0x5000  }
0x4: {  	s16 =	simm.s32 $0x1;
	s17 =	simm.s32 $0x2;
	s18 =	simm.s32 $0x0  }
0x5: {  	s6 =	sand.u32 $0x1, s1;
	s26 =	sshll.u32 s0, $0x1;
	s10 =	smul.u32 $0x14000, s0  }
0x6: {  	[smem:$0x7FF] =	sst s3;
	s4 =	sadd.s32 $0xBC00, s5;
	s12 =	smul.u32 $0x50000, s0  }
0x7: {  	s13 =	sadd.s32 $0x84400, s5;
	s14 =	smul.u32 $0x2800, s0;
	s31 =	sshll.u32 s0, $0x6  }
0x8: {  	s1 =	sor.u32 s6, s26;
	s9 =	smul.u32 $0x140000, s6;
	s28 =	ssub.s32 $0x2, s6  }
0x9: {  	p0 =	seq.s32 s6, $0x1;
	s8 =	smul.u32 $0x500, s1;
	s1 =	rddreg [dreg:$0x3]  }
0xa: {  	_ =	strace $0x8000004A;
	s29 =	sshrl.u32 s28, $0x1;
	s30 =	sshrl.u32 s12, $0x2  }
0xb: {  	s9 =	sadd.s32 s10, s9;
	s10 =	ssub.s32 s28, s29;
	s12 =	sadd.s32 s30, s2  }
0xc: {  	s11 =	sadd.s32 s8, s5;
	s9 =	sshrl.u32 s9, $0x3;
	s6 =	sadd.s32 s7, s8  }
0xd: {  	s9 =	sadd.s32 s9, s5;
	s5 =	sadd.s32 $0x1C00, s11;
	s11 =	smov.u32 s4  }
0xe: {  	s8 =	smax.u32 s10, $0x1;
	s10 =	sor.u32 $0x1C03, s31;
	s11 =	smov.u32 @p0 s13  }
0xf: {  	s7 =	sadd.s32 $0xAC400, s9;
	s13 =	simm.s32 $0x2800;
	s9 =	sadd.s32 s11, s14  }
0x10: {  	s11 =	sshrl.u32 s12, $0x3;
	s12 =	simm.s32 $0x3;
	s14 =	simm.s32 $0x80  }
.LBB2_1:
0x11: {  	[spmem:s11], [sflag:s10] =	dma.local [hbm:s9], $0x2800  }
0x12: {  	_ =	swait.ge [sflag:s12], $0x2800  }
0x13: {  	[sflag:s12] =	ssyncset.done $0x0  }
0x14: {  	[sflag:s12] =	ssyncadd.s32 $0xFFFFD800  }
0x15: {  	[tilespmem:s3], [sflag:$0x3] =	stream.linear.gather [hbm4b:s5+s3], $0x2800, $0x38;
	[tilespmem:$0x1D000] =	vst v63  }
0x16: {  	_ =	swait.ge [sflag:s12], $0x2800  }
0x17: {  	[sflag:s12] =	ssyncset.done $0x0  }
0x18: {  	[sflag:s12] =	ssyncadd.s32 $0xFFFFD800  }
0x19: {  	[tilespmem:s13], [sflag:$0x3] =	stream.linear.gather [hbm4b:s6+s3], $0x2800, $0x38;
	[tilespmem:$0x1D000] =	vst v63  }
0x1a: {  	_ =	swait.ge [sflag:s12], $0x2800  }
0x1b: {  	[sflag:s12] =	ssyncset.done $0x0  }
0x1c: {  	[sflag:s12] =	ssyncadd.s32 $0xFFFFD800  }
0x1d: {  	s19 =	simm.s32 $0x0;
	[bflag:$0x0] =	sbarrier.arrive $0xFFFF  }
0x1e: {  	[tilespmem:s15], [sflag:$0x1] =	stream.indirect.gather [hbm4b:s4+s14], $0x80, s19, s14, $0xb8;
	[tilespmem:$0x1D000] =	vst v63  }
0x1f: {  	_ =	swait.ge [sflag:s16], $0x4000  }
0x20: {  	[sflag:s16] =	ssyncset.done $0x0  }
0x21: {  	s31 =	simm.s32 $0x2800;
	[sflag:s16] =	ssyncadd.s32 $0xFFFFC000  }
0x22: {  	[spmem:s2] =	stream.indirect.scatter.add.f32 [tilespmem:s15], [sflag:$0x2], $0x80, s31, s14, $0xb8;
	[tilespmem:$0x1D000] =	vst v63  }
0x23: {  	_ =	swait.ge [sflag:s17], $0x4000  }
0x24: {  	s20 =	simm.s32 $0x400;
	s19 =	simm.s32 $0x200;
	[sflag:s17] =	ssyncset.done $0x0  }
.LBB2_2:
0x25: {  	s21 =	sshra.s32 s19, $0x2  }
0x26: {  	[sflag:s17] =	ssyncadd.s32 $0xFFFFC000;
	s19 =	smov.u32 s20;
	s22 =	sadd.s32 $0x200, s20  }
0x27: {  	[tilespmem:s15], [sflag:$0x1] =	stream.indirect.gather [hbm4b:s4+s14], $0x80, s21, s14, $0xb8;
	[tilespmem:$0x1D000] =	vst v63  }
0x28: {  	p0 =	sne.s32 s20, $0x9E00;
	_ =	swait.ge [sflag:s16], $0x4000  }
.Ltmp0:
0x29: {  	[sflag:s16] =	ssyncset.done $0x0;
	(pc) =	sbr.rel @p0 .LBB2_2-.Ltmp0, $4  }
0x2a: {  	s20 =	sadd.s32 $0x2800, s21;
	[sflag:s16] =	ssyncadd.s32 $0xFFFFC000  }
0x2b: {  	[spmem:s2] =	stream.indirect.scatter.add.f32 [tilespmem:s15], [sflag:$0x2], $0x80, s20, s14, $0xb8;
	[tilespmem:$0x1D000] =	vst v63  }
0x2c: {  	_ =	swait.ge [sflag:s17], $0x4000  }
0x2d: {  	s20 =	smov.u32 s22;
	[sflag:s17] =	ssyncset.done $0x0  }
0x2e: {  	s19 =	sshra.s32 s19, $0x2;
	[sflag:s17] =	ssyncadd.s32 $0xFFFFC000  }
0x2f: {  	[tilespmem:s15], [sflag:$0x1] =	stream.indirect.gather [hbm4b:s4+s14], $0x80, s19, s14, $0xb8;
	[tilespmem:$0x1D000] =	vst v63  }
0x30: {  	_ =	swait.ge [sflag:s16], $0x4000  }
0x31: {  	[sflag:s16] =	ssyncset.done $0x0  }
0x32: {  	s19 =	sadd.s32 $0x2800, s19;
	[sflag:s16] =	ssyncadd.s32 $0xFFFFC000  }
0x33: {  	[spmem:s2] =	stream.indirect.scatter.add.f32 [tilespmem:s15], [sflag:$0x2], $0x80, s19, s14, $0xb8;
	[tilespmem:$0x1D000] =	vst v63  }
0x34: {  	_ =	swait.ge [sflag:s17], $0x4000  }
0x35: {  	s18 =	sadd.s32 $0x1, s18;
	[sflag:s17] =	ssyncset.done $0x0  }
0x36: {  	p0 =	sne.s32 s18, s8;
	[sflag:s17] =	ssyncadd.s32 $0xFFFFC000  }
.Ltmp1:
0x37: {  	[bflag:$0x0] =	sbarrier.arrive $0xFFFF;
	(pc) =	sbr.rel @p0 .LBB2_1-.Ltmp1, $4  }
0x38: {  	[hbm:s7], [sflag:s10] =	dma.local [spmem:s11], $0x2800  }
0x39: {  	_ =	swait.ge [sflag:s12], $0x2800  }
0x3a: {  	[sflag:s12] =	ssyncset.done $0x0  }
0x3b: {  	[sflag:s12] =	ssyncadd.s32 $0xFFFFD800  }
0x3c: {  	_ =	sfence.sel $0x180000  }
0x3d: {  	[bflag:$0x0] =	sbarrier.arrive $0xFFFF  }
0x3e: {  	p0 =	sne.s32 s0, $0x0;
	_ =	strace $0x9000004A  }
0x3f: {  	s0 =	sadd.s32 @!p0 $0x100000, s1;
	[bflag:$0x2] =	sbarrier.arrive $0xFFFF  }
0x40: {  	[sflag:s0] =	ssyncadd.tile.s32 @!p0 $0x1;
	_ =	shalt  }
.Lfunc_end2:
_tile_overlayer_lowered:
.L_overlay_start_2:
0x41: {  	(tag) =	ssettag $0x2  }
0x42: {  	s0 =	rddreg [dreg:$0x0];
	s2 =	stileid.u32  }
0x43: {  	s1 =	rddreg [dreg:$0x1];
	p0 =	sne.s32 s2, $0x0  }
0x44: {  	s3 =	rddreg [dreg:$0x2];
	[bflag:$0x3] =	sbarrier.arrive $0xFFFF;
	s2 =	simm.s32 @!p0 $0x1C03  }
0x45: {  	[timem:s3], [sflag:s2] =	dma.local @!p0 [hbm:s0], s1  }
0x46: {  	s0 =	simm.s32 @!p0 $0x3  }
0x47: {  	_ =	swait.ge @!p0 [sflag:s0], s1  }
0x48: {  	s1 =	ssub.s32 @!p0 $0x0, s1;
	[sflag:s0] =	ssyncset.done @!p0 $0x0  }
0x49: {  	[sflag:s0] =	ssyncadd.s32 @!p0 s1  }
0x4a: {  	[bflag:$0x3] =	sbarrier.arrive $0xFFFF  }
0x4b: {  	_ =	shalt  }

</sc_bundles>
